<compile_context>
chip_gen: v7x
topology: tpu7x:2x2x1
jax: 0.10.2.dev20260603
libtpu: 0.0.44.dev20260713+nightly
codegen_flags: <defaults>
</compile_context>

<pallas_src>
import functools

import jax
import jax.numpy as jnp
from jax import lax
from jax.experimental import pallas as pl
from jax.experimental.pallas import tpu as pltpu
from jax.experimental.pallas import tpu_sc as plsc

BATCH = 16384
DIM = 128
NC = 2
NS = 16
L = 16
NW = NC * NS
BPW = BATCH // NW
CHUNK = 128
NCHUNK = BPW // CHUNK
GROUPS = CHUNK // L
NBUF = 2


@functools.partial(
    pl.kernel,
    mesh=plsc.VectorSubcoreMesh(core_axis_name="c", subcore_axis_name="s"),
    out_type=jax.ShapeDtypeStruct((BATCH,), jnp.float32),
    compiler_params=pltpu.CompilerParams(
        needs_layout_passes=False,
        use_tc_tiling_on_sc=False,
    ),
    scratch_types=[
        pltpu.VMEM((BPW,), jnp.int32),
        pltpu.VMEM((BPW,), jnp.int32),
        pltpu.VMEM((NBUF, CHUNK, DIM), jnp.float32),
        pltpu.VMEM((NBUF, CHUNK, DIM), jnp.float32),
        pltpu.VMEM((L * L,), jnp.float32),
        pltpu.VMEM((BPW,), jnp.float32),
        pltpu.SemaphoreType.DMA,
        pltpu.SemaphoreType.DMA,
    ],
)
def _sc_dot_kernel(uid_hbm, iid_hbm, ut_hbm, it_hbm, out_hbm,
                   uidx_v, iidx_v, urows_v, irows_v, part_v, out_v,
                   sem_u, sem_i):
    wid = lax.axis_index("s") * NC + lax.axis_index("c")
    base = wid * BPW
    pltpu.sync_copy(uid_hbm.at[pl.ds(base, BPW)], uidx_v)
    pltpu.sync_copy(iid_hbm.at[pl.ds(base, BPW)], iidx_v)

    lane = lax.iota(jnp.int32, L)

    def fire(c, buf):
        cu = pltpu.async_copy(
            ut_hbm.at[uidx_v.at[pl.ds(c * CHUNK, CHUNK)]], urows_v.at[buf],
            sem_u)
        ci = pltpu.async_copy(
            it_hbm.at[iidx_v.at[pl.ds(c * CHUNK, CHUNK)]], irows_v.at[buf],
            sem_i)
        return cu, ci

    fire(0, 0)

    def chunk_body(c, carry):
        buf = lax.rem(c, NBUF)
        pltpu.make_async_copy(
            ut_hbm.at[uidx_v.at[pl.ds(c * CHUNK, CHUNK)]], urows_v.at[buf],
            sem_u).wait()
        pltpu.make_async_copy(
            it_hbm.at[iidx_v.at[pl.ds(c * CHUNK, CHUNK)]], irows_v.at[buf],
            sem_i).wait()

        @pl.when(c + 1 < NCHUNK)
        def _():
            fire(c + 1, lax.rem(c + 1, NBUF))

        def group_body(g, carry2):
            for j in range(0, L, 2):
                pa = g * L + j
                pb = pa + 1
                acca = (urows_v[buf, pa, pl.ds(0, L)]
                        * irows_v[buf, pa, pl.ds(0, L)])
                accb = (urows_v[buf, pb, pl.ds(0, L)]
                        * irows_v[buf, pb, pl.ds(0, L)])
                for k in range(1, DIM // L):
                    acca = acca + (urows_v[buf, pa, pl.ds(k * L, L)]
                                   * irows_v[buf, pa, pl.ds(k * L, L)])
                    accb = accb + (urows_v[buf, pb, pl.ds(k * L, L)]
                                   * irows_v[buf, pb, pl.ds(k * L, L)])
                part_v[pl.ds(j * L, L)] = acca
                part_v[pl.ds((j + 1) * L, L)] = accb
            g16 = [plsc.load_gather(part_v, [lane * L + t]) for t in range(L)]
            while len(g16) > 1:
                g16 = [g16[i] + g16[i + 1] for i in range(0, len(g16), 2)]
            out_v[pl.ds(c * CHUNK + g * L, L)] = g16[0]
            return carry2

        lax.fori_loop(0, GROUPS, group_body, 0)
        return carry

    lax.fori_loop(0, NCHUNK, chunk_body, 0)
    pltpu.sync_copy(out_v, out_hbm.at[pl.ds(base, BPW)])


def kernel(users_ids, items_ids, user_table, item_table):
    return _sc_dot_kernel(users_ids.astype(jnp.int32),
                          items_ids.astype(jnp.int32),
                          user_table, item_table)

# --- scband reference (transcript-rebuilt; emitter-appended) ---
"""Pipeline reference for scband-matrix-factorization-46574625358129 (READ-ONLY COPY).

The authoritative reference and input builder live on the scoring server;
editing this copy changes nothing except your own understanding.
"""

import jax, jax.numpy as jnp
import numpy as np

NUM_USERS = 100000
N_ITEMS = 100000
EMBED_DIM = 128
BATCH = 16384

def setup_inputs(seed: int = 0) -> dict:
    key = jax.random.key(seed)
    k1, k2, k3, k4 = jax.random.split(key, 4)
    users_ids = jax.random.randint(k1, (BATCH,), 0, NUM_USERS, dtype=jnp.int64 if jax.config.jax_enable_x64 else jnp.int32)
    items_ids = jax.random.randint(k2, (BATCH,), 0, N_ITEMS, dtype=jnp.int64 if jax.config.jax_enable_x64 else jnp.int32)
    user_table = jax.random.normal(k3, (NUM_USERS, EMBED_DIM), dtype=jnp.float32) * 0.01
    item_table = jax.random.normal(k4, (N_ITEMS, EMBED_DIM), dtype=jnp.float32) * 0.01
    return {"users_ids": users_ids, "items_ids": items_ids, "user_table": user_table, "item_table": item_table}

def reference(users_ids, items_ids, user_table, item_table):
    user_embeds = jnp.take(user_table, users_ids, axis=0)
    item_embeds = jnp.take(item_table, items_ids, axis=0)
    return jnp.sum(user_embeds * item_embeds, axis=1)

if __name__ == "__main__":
    import jax
    _d = setup_inputs()
    print(jax.jit(kernel)(*tuple(_d.values())))

</pallas_src>

<mosaic_0001>
#map = affine_map<(d0, d1) -> (0)>
#map1 = affine_map<(d0, d1) -> (0, 0)>
module attributes {stable_mosaic.version = 14 : i64} {
  func.func @_sc_dot_kernel(%arg0: i32, %arg1: i32, %arg2: memref<16384xi32, #tpu.memory_space<hbm>>, %arg3: memref<16384xi32, #tpu.memory_space<hbm>>, %arg4: memref<100000x128xf32, #tpu.memory_space<hbm>>, %arg5: memref<100000x128xf32, #tpu.memory_space<hbm>>, %arg6: memref<16384xf32, #tpu.memory_space<hbm>>, %arg7: memref<512xi32, #tpu.memory_space<vmem>>, %arg8: memref<512xi32, #tpu.memory_space<vmem>>, %arg9: memref<2x128x128xf32, #tpu.memory_space<vmem>>, %arg10: memref<2x128x128xf32, #tpu.memory_space<vmem>>, %arg11: memref<256xf32, #tpu.memory_space<vmem>>, %arg12: memref<512xf32, #tpu.memory_space<vmem>>, %arg13: memref<!tpu.dma_semaphore, #tpu.memory_space<semaphore_mem>>, %arg14: memref<!tpu.dma_semaphore, #tpu.memory_space<semaphore_mem>>) attributes {dimension_semantics = [#tpu.dimension_semantics<core_parallel>, #tpu.dimension_semantics<subcore_parallel>], iteration_bounds = array<i64: 2, 16>, scalar_prefetch = 0 : i64, scratch_operands = 8 : i64, tpu.core_type = #tpu.core_type<sc_vector_subcore>, window_params = [{transform_indices = #map}, {transform_indices = #map}, {transform_indices = #map1}, {transform_indices = #map1}, {transform_indices = #map}]} {
    %mul3A = arith.constant 2 : i32
    %mul3A_0 = arith.muli %arg1, %mul3A : i32
    %add3A = arith.addi %mul3A_0, %arg0 : i32
    %mul3A_1 = arith.constant 512 : i32
    %mul3A_2 = arith.muli %add3A, %mul3A_1 : i32
    "tpu.region"() ({
      %run_scoped3A = tpu.sem_alloc : memref<!tpu.dma_semaphore, #tpu.memory_space<semaphore_mem>>
      %dma_start3A_27 = tpu.memref_slice %arg2[%mul3A_2] : memref<16384xi32, #tpu.memory_space<hbm>> -> memref<512xi32, #tpu.memory_space<hbm>>
      %dma_start3A_28 = tpu.memref_slice %arg2[%mul3A_2] : memref<16384xi32, #tpu.memory_space<hbm>> -> memref<512xi32, #tpu.memory_space<hbm>>
      tpu.enqueue_dma source(%dma_start3A_28 : memref<512xi32, #tpu.memory_space<hbm>>) target(%arg7 : memref<512xi32, #tpu.memory_space<vmem>>) target_semaphore(%run_scoped3A : memref<!tpu.dma_semaphore, #tpu.memory_space<semaphore_mem>>)
      %dma_wait3A = tpu.memref_slice %arg2[%mul3A_2] : memref<16384xi32, #tpu.memory_space<hbm>> -> memref<512xi32, #tpu.memory_space<hbm>>
      %dma_wait3A_29 = tpu.memref_slice %arg2[%mul3A_2] : memref<16384xi32, #tpu.memory_space<hbm>> -> memref<512xi32, #tpu.memory_space<hbm>>
      tpu.wait_dma2 semaphore(%run_scoped3A : memref<!tpu.dma_semaphore, #tpu.memory_space<semaphore_mem>>) src(%dma_wait3A_29 : memref<512xi32, #tpu.memory_space<hbm>>) dst(%arg7 : memref<512xi32, #tpu.memory_space<vmem>>)
      tpu.yield
    }) : () -> ()
    "tpu.region"() ({
      %run_scoped3A = tpu.sem_alloc : memref<!tpu.dma_semaphore, #tpu.memory_space<semaphore_mem>>
      %dma_start3A_27 = tpu.memref_slice %arg3[%mul3A_2] : memref<16384xi32, #tpu.memory_space<hbm>> -> memref<512xi32, #tpu.memory_space<hbm>>
      %dma_start3A_28 = tpu.memref_slice %arg3[%mul3A_2] : memref<16384xi32, #tpu.memory_space<hbm>> -> memref<512xi32, #tpu.memory_space<hbm>>
      tpu.enqueue_dma source(%dma_start3A_28 : memref<512xi32, #tpu.memory_space<hbm>>) target(%arg8 : memref<512xi32, #tpu.memory_space<vmem>>) target_semaphore(%run_scoped3A : memref<!tpu.dma_semaphore, #tpu.memory_space<semaphore_mem>>)
      %dma_wait3A = tpu.memref_slice %arg3[%mul3A_2] : memref<16384xi32, #tpu.memory_space<hbm>> -> memref<512xi32, #tpu.memory_space<hbm>>
      %dma_wait3A_29 = tpu.memref_slice %arg3[%mul3A_2] : memref<16384xi32, #tpu.memory_space<hbm>> -> memref<512xi32, #tpu.memory_space<hbm>>
      tpu.wait_dma2 semaphore(%run_scoped3A : memref<!tpu.dma_semaphore, #tpu.memory_space<semaphore_mem>>) src(%dma_wait3A_29 : memref<512xi32, #tpu.memory_space<hbm>>) dst(%arg8 : memref<512xi32, #tpu.memory_space<vmem>>)
      tpu.yield
    }) : () -> ()
    %iota3A = tpu.iota {dimensions = array<i32: 0>} : vector<16xi32>
    %dma_start3A = arith.constant 0 : i32
    %dma_start3A_3 = arith.constant 0 : i32
    %dma_start3A_4 = arith.constant 0 : i32
    %dma_start3A_5 = tpu.memref_slice %arg9[%dma_start3A, %dma_start3A_3, %dma_start3A_4] : memref<2x128x128xf32, #tpu.memory_space<vmem>> -> memref<1x128x128xf32, #tpu.memory_space<vmem>>
    %dma_start3A_6 = tpu.memref_squeeze %dma_start3A_5 : memref<1x128x128xf32, #tpu.memory_space<vmem>> -> memref<128x128xf32, #tpu.memory_space<vmem>>
    %dma_start3A_7 = arith.constant 0 : i32
    %dma_start3A_8 = tpu.memref_slice %arg7[%dma_start3A_7] : memref<512xi32, #tpu.memory_space<vmem>> -> memref<128xi32, #tpu.memory_space<vmem>>
    %dma_start3A_9 = arith.constant 0 : i32
    %dma_start3A_10 = arith.constant 0 : i32
    %dma_start3A_11 = tpu.memref_slice %arg4[%dma_start3A_9, %dma_start3A_10] : memref<100000x128xf32, #tpu.memory_space<hbm>> -> memref<100000x128xf32, #tpu.memory_space<hbm>>
    tpu.enqueue_indirect_dma source(%dma_start3A_11 : memref<100000x128xf32, #tpu.memory_space<hbm>>) target(%dma_start3A_6 : memref<128x128xf32, #tpu.memory_space<vmem>>) offsets(%dma_start3A_8 : memref<128xi32, #tpu.memory_space<vmem>>) semaphore(%arg13 : memref<!tpu.dma_semaphore, #tpu.memory_space<semaphore_mem>>)
    %dma_start3A_12 = arith.constant 0 : i32
    %dma_start3A_13 = arith.constant 0 : i32
    %dma_start3A_14 = arith.constant 0 : i32
    %dma_start3A_15 = tpu.memref_slice %arg10[%dma_start3A_12, %dma_start3A_13, %dma_start3A_14] : memref<2x128x128xf32, #tpu.memory_space<vmem>> -> memref<1x128x128xf32, #tpu.memory_space<vmem>>
    %dma_start3A_16 = tpu.memref_squeeze %dma_start3A_15 : memref<1x128x128xf32, #tpu.memory_space<vmem>> -> memref<128x128xf32, #tpu.memory_space<vmem>>
    %dma_start3A_17 = arith.constant 0 : i32
    %dma_start3A_18 = tpu.memref_slice %arg8[%dma_start3A_17] : memref<512xi32, #tpu.memory_space<vmem>> -> memref<128xi32, #tpu.memory_space<vmem>>
    %dma_start3A_19 = arith.constant 0 : i32
    %dma_start3A_20 = arith.constant 0 : i32
    %dma_start3A_21 = tpu.memref_slice %arg5[%dma_start3A_19, %dma_start3A_20] : memref<100000x128xf32, #tpu.memory_space<hbm>> -> memref<100000x128xf32, #tpu.memory_space<hbm>>
    tpu.enqueue_indirect_dma source(%dma_start3A_21 : memref<100000x128xf32, #tpu.memory_space<hbm>>) target(%dma_start3A_16 : memref<128x128xf32, #tpu.memory_space<vmem>>) offsets(%dma_start3A_18 : memref<128xi32, #tpu.memory_space<vmem>>) semaphore(%arg14 : memref<!tpu.dma_semaphore, #tpu.memory_space<semaphore_mem>>)
    %scan3A = arith.constant 0 : i32
    %scan3A_22 = arith.constant 0 : i32
    %scan3A_23 = arith.constant 4 : i32
    %scan3A_24 = arith.addi %scan3A_22, %scan3A_23 : i32
    %scan3A_25 = arith.constant 1 : i32
    scf.for %scan3A_27 = %scan3A_22 to %scan3A_24 step %scan3A_25  : i32 {
      %rem3A = arith.constant 2 : i32
      %rem3A_28 = arith.remsi %scan3A_27, %rem3A : i32
      %mul3A_29 = arith.constant 128 : i32
      %mul3A_30 = arith.muli %scan3A_27, %mul3A_29 : i32
      %dma_wait3A = arith.constant 0 : i32
      %dma_wait3A_31 = arith.constant 0 : i32
      %dma_wait3A_32 = tpu.memref_slice %arg9[%rem3A_28, %dma_wait3A, %dma_wait3A_31] : memref<2x128x128xf32, #tpu.memory_space<vmem>> -> memref<1x128x128xf32, #tpu.memory_space<vmem>>
      %dma_wait3A_33 = tpu.memref_squeeze %dma_wait3A_32 : memref<1x128x128xf32, #tpu.memory_space<vmem>> -> memref<128x128xf32, #tpu.memory_space<vmem>>
      %dma_wait3A_34 = tpu.memref_slice %arg7[%mul3A_30] : memref<512xi32, #tpu.memory_space<vmem>> -> memref<128xi32, #tpu.memory_space<vmem>>
      %dma_wait3A_35 = arith.constant 0 : i32
      %dma_wait3A_36 = arith.constant 0 : i32
      %dma_wait3A_37 = tpu.memref_slice %arg4[%dma_wait3A_35, %dma_wait3A_36] : memref<100000x128xf32, #tpu.memory_space<hbm>> -> memref<100000x128xf32, #tpu.memory_space<hbm>>
      tpu.wait_indirect_dma semaphore(%arg13 : memref<!tpu.dma_semaphore, #tpu.memory_space<semaphore_mem>>) src(%dma_wait3A_37 : memref<100000x128xf32, #tpu.memory_space<hbm>>) dst(%dma_wait3A_33 : memref<128x128xf32, #tpu.memory_space<vmem>>)
      %mul3A_38 = arith.constant 128 : i32
      %mul3A_39 = arith.muli %scan3A_27, %mul3A_38 : i32
      %dma_wait3A_40 = arith.constant 0 : i32
      %dma_wait3A_41 = arith.constant 0 : i32
      %dma_wait3A_42 = tpu.memref_slice %arg10[%rem3A_28, %dma_wait3A_40, %dma_wait3A_41] : memref<2x128x128xf32, #tpu.memory_space<vmem>> -> memref<1x128x128xf32, #tpu.memory_space<vmem>>
      %dma_wait3A_43 = tpu.memref_squeeze %dma_wait3A_42 : memref<1x128x128xf32, #tpu.memory_space<vmem>> -> memref<128x128xf32, #tpu.memory_space<vmem>>
      %dma_wait3A_44 = tpu.memref_slice %arg8[%mul3A_39] : memref<512xi32, #tpu.memory_space<vmem>> -> memref<128xi32, #tpu.memory_space<vmem>>
      %dma_wait3A_45 = arith.constant 0 : i32
      %dma_wait3A_46 = arith.constant 0 : i32
      %dma_wait3A_47 = tpu.memref_slice %arg5[%dma_wait3A_45, %dma_wait3A_46] : memref<100000x128xf32, #tpu.memory_space<hbm>> -> memref<100000x128xf32, #tpu.memory_space<hbm>>
      tpu.wait_indirect_dma semaphore(%arg14 : memref<!tpu.dma_semaphore, #tpu.memory_space<semaphore_mem>>) src(%dma_wait3A_47 : memref<100000x128xf32, #tpu.memory_space<hbm>>) dst(%dma_wait3A_43 : memref<128x128xf32, #tpu.memory_space<vmem>>)
      %add3A_48 = arith.constant 1 : i32
      %add3A_49 = arith.addi %scan3A_27, %add3A_48 : i32
      %lt3A = arith.constant 4 : i32
      %lt3A_50 = arith.cmpi slt, %add3A_49, %lt3A : i32
      %convert_element_type3A = arith.extui %lt3A_50 : i1 to i32
      %cond3A = arith.constant 0 : i32
      %cond3A_51 = arith.cmpi ne, %convert_element_type3A, %cond3A : i32
      scf.if %cond3A_51 {
        %add3A_58 = arith.constant 1 : i32
        %add3A_59 = arith.addi %scan3A_27, %add3A_58 : i32
        %add3A_60 = arith.constant 1 : i32
        %add3A_61 = arith.addi %scan3A_27, %add3A_60 : i32
        %rem3A_62 = arith.constant 2 : i32
        %rem3A_63 = arith.remsi %add3A_61, %rem3A_62 : i32
        %mul3A_64 = arith.constant 128 : i32
        %mul3A_65 = arith.muli %add3A_59, %mul3A_64 : i32
        %dma_start3A_66 = arith.constant 0 : i32
        %dma_start3A_67 = arith.constant 0 : i32
        %dma_start3A_68 = tpu.memref_slice %arg9[%rem3A_63, %dma_start3A_66, %dma_start3A_67] : memref<2x128x128xf32, #tpu.memory_space<vmem>> -> memref<1x128x128xf32, #tpu.memory_space<vmem>>
        %dma_start3A_69 = tpu.memref_squeeze %dma_start3A_68 : memref<1x128x128xf32, #tpu.memory_space<vmem>> -> memref<128x128xf32, #tpu.memory_space<vmem>>
        %dma_start3A_70 = tpu.memref_slice %arg7[%mul3A_65] : memref<512xi32, #tpu.memory_space<vmem>> -> memref<128xi32, #tpu.memory_space<vmem>>
        %dma_start3A_71 = arith.constant 0 : i32
        %dma_start3A_72 = arith.constant 0 : i32
        %dma_start3A_73 = tpu.memref_slice %arg4[%dma_start3A_71, %dma_start3A_72] : memref<100000x128xf32, #tpu.memory_space<hbm>> -> memref<100000x128xf32, #tpu.memory_space<hbm>>
        tpu.enqueue_indirect_dma source(%dma_start3A_73 : memref<100000x128xf32, #tpu.memory_space<hbm>>) target(%dma_start3A_69 : memref<128x128xf32, #tpu.memory_space<vmem>>) offsets(%dma_start3A_70 : memref<128xi32, #tpu.memory_space<vmem>>) semaphore(%arg13 : memref<!tpu.dma_semaphore, #tpu.memory_space<semaphore_mem>>)
        %mul3A_74 = arith.constant 128 : i32
        %mul3A_75 = arith.muli %add3A_59, %mul3A_74 : i32
        %dma_start3A_76 = arith.constant 0 : i32
        %dma_start3A_77 = arith.constant 0 : i32
        %dma_start3A_78 = tpu.memref_slice %arg10[%rem3A_63, %dma_start3A_76, %dma_start3A_77] : memref<2x128x128xf32, #tpu.memory_space<vmem>> -> memref<1x128x128xf32, #tpu.memory_space<vmem>>
        %dma_start3A_79 = tpu.memref_squeeze %dma_start3A_78 : memref<1x128x128xf32, #tpu.memory_space<vmem>> -> memref<128x128xf32, #tpu.memory_space<vmem>>
        %dma_start3A_80 = tpu.memref_slice %arg8[%mul3A_75] : memref<512xi32, #tpu.memory_space<vmem>> -> memref<128xi32, #tpu.memory_space<vmem>>
        %dma_start3A_81 = arith.constant 0 : i32
        %dma_start3A_82 = arith.constant 0 : i32
        %dma_start3A_83 = tpu.memref_slice %arg5[%dma_start3A_81, %dma_start3A_82] : memref<100000x128xf32, #tpu.memory_space<hbm>> -> memref<100000x128xf32, #tpu.memory_space<hbm>>
        tpu.enqueue_indirect_dma source(%dma_start3A_83 : memref<100000x128xf32, #tpu.memory_space<hbm>>) target(%dma_start3A_79 : memref<128x128xf32, #tpu.memory_space<vmem>>) offsets(%dma_start3A_80 : memref<128xi32, #tpu.memory_space<vmem>>) semaphore(%arg14 : memref<!tpu.dma_semaphore, #tpu.memory_space<semaphore_mem>>)
      } else {
      }
      %scan3A_52 = arith.constant 0 : i32
      %scan3A_53 = arith.constant 0 : i32
      %scan3A_54 = arith.constant 8 : i32
      %scan3A_55 = arith.addi %scan3A_53, %scan3A_54 : i32
      %scan3A_56 = arith.constant 1 : i32
      scf.for %scan3A_58 = %scan3A_53 to %scan3A_55 step %scan3A_56  : i32 {
        %mul3A_59 = arith.constant 16 : i32
        %mul3A_60 = arith.muli %scan3A_58, %mul3A_59 : i32
        %add3A_61 = arith.constant 0 : i32
        %add3A_62 = arith.addi %mul3A_60, %add3A_61 : i32
        %add3A_63 = arith.constant 1 : i32
        %add3A_64 = arith.addi %add3A_62, %add3A_63 : i32
        %get3A = arith.index_cast %rem3A_28 : i32 to index
        %get3A_65 = arith.index_cast %add3A_62 : i32 to index
        %get3A_66 = arith.constant 0 : index
        %get3A_67 = tpu.vector_load %arg9[%get3A, %get3A_65, %get3A_66] {strides = array<i32>} : memref<2x128x128xf32, #tpu.memory_space<vmem>>, vector<16xf32>,
        %get3A_68 = arith.index_cast %rem3A_28 : i32 to index
        %get3A_69 = arith.index_cast %add3A_62 : i32 to index
        %get3A_70 = arith.constant 0 : index
        %get3A_71 = tpu.vector_load %arg10[%get3A_68, %get3A_69, %get3A_70] {strides = array<i32>} : memref<2x128x128xf32, #tpu.memory_space<vmem>>, vector<16xf32>,
        %mul3A_72 = arith.mulf %get3A_67, %get3A_71 : vector<16xf32>
        %get3A_73 = arith.index_cast %rem3A_28 : i32 to index
        %get3A_74 = arith.index_cast %add3A_64 : i32 to index
        %get3A_75 = arith.constant 0 : index
        %get3A_76 = tpu.vector_load %arg9[%get3A_73, %get3A_74, %get3A_75] {strides = array<i32>} : memref<2x128x128xf32, #tpu.memory_space<vmem>>, vector<16xf32>,
        %get3A_77 = arith.index_cast %rem3A_28 : i32 to index
        %get3A_78 = arith.index_cast %add3A_64 : i32 to index
        %get3A_79 = arith.constant 0 : index
        %get3A_80 = tpu.vector_load %arg10[%get3A_77, %get3A_78, %get3A_79] {strides = array<i32>} : memref<2x128x128xf32, #tpu.memory_space<vmem>>, vector<16xf32>,
        %mul3A_81 = arith.mulf %get3A_76, %get3A_80 : vector<16xf32>
        %get3A_82 = arith.index_cast %rem3A_28 : i32 to index
        %get3A_83 = arith.index_cast %add3A_62 : i32 to index
        %get3A_84 = arith.constant 16 : index
        %get3A_85 = tpu.vector_load %arg9[%get3A_82, %get3A_83, %get3A_84] {strides = array<i32>} : memref<2x128x128xf32, #tpu.memory_space<vmem>>, vector<16xf32>,
        %get3A_86 = arith.index_cast %rem3A_28 : i32 to index
        %get3A_87 = arith.index_cast %add3A_62 : i32 to index
        %get3A_88 = arith.constant 16 : index
        %get3A_89 = tpu.vector_load %arg10[%get3A_86, %get3A_87, %get3A_88] {strides = array<i32>} : memref<2x128x128xf32, #tpu.memory_space<vmem>>, vector<16xf32>,
        %mul3A_90 = arith.mulf %get3A_85, %get3A_89 : vector<16xf32>
        %add3A_91 = arith.addf %mul3A_72, %mul3A_90 : vector<16xf32>
        %get3A_92 = arith.index_cast %rem3A_28 : i32 to index
        %get3A_93 = arith.index_cast %add3A_64 : i32 to index
        %get3A_94 = arith.constant 16 : index
        %get3A_95 = tpu.vector_load %arg9[%get3A_92, %get3A_93, %get3A_94] {strides = array<i32>} : memref<2x128x128xf32, #tpu.memory_space<vmem>>, vector<16xf32>,
        %get3A_96 = arith.index_cast %rem3A_28 : i32 to index
        %get3A_97 = arith.index_cast %add3A_64 : i32 to index
        %get3A_98 = arith.constant 16 : index
        %get3A_99 = tpu.vector_load %arg10[%get3A_96, %get3A_97, %get3A_98] {strides = array<i32>} : memref<2x128x128xf32, #tpu.memory_space<vmem>>, vector<16xf32>,
        %mul3A_100 = arith.mulf %get3A_95, %get3A_99 : vector<16xf32>
        %add3A_101 = arith.addf %mul3A_81, %mul3A_100 : vector<16xf32>
        %get3A_102 = arith.index_cast %rem3A_28 : i32 to index
        %get3A_103 = arith.index_cast %add3A_62 : i32 to index
        %get3A_104 = arith.constant 32 : index
        %get3A_105 = tpu.vector_load %arg9[%get3A_102, %get3A_103, %get3A_104] {strides = array<i32>} : memref<2x128x128xf32, #tpu.memory_space<vmem>>, vector<16xf32>,
        %get3A_106 = arith.index_cast %rem3A_28 : i32 to index
        %get3A_107 = arith.index_cast %add3A_62 : i32 to index
        %get3A_108 = arith.constant 32 : index
        %get3A_109 = tpu.vector_load %arg10[%get3A_106, %get3A_107, %get3A_108] {strides = array<i32>} : memref<2x128x128xf32, #tpu.memory_space<vmem>>, vector<16xf32>,
        %mul3A_110 = arith.mulf %get3A_105, %get3A_109 : vector<16xf32>
        %add3A_111 = arith.addf %add3A_91, %mul3A_110 : vector<16xf32>
        %get3A_112 = arith.index_cast %rem3A_28 : i32 to index
        %get3A_113 = arith.index_cast %add3A_64 : i32 to index
        %get3A_114 = arith.constant 32 : index
        %get3A_115 = tpu.vector_load %arg9[%get3A_112, %get3A_113, %get3A_114] {strides = array<i32>} : memref<2x128x128xf32, #tpu.memory_space<vmem>>, vector<16xf32>,
        %get3A_116 = arith.index_cast %rem3A_28 : i32 to index
        %get3A_117 = arith.index_cast %add3A_64 : i32 to index
        %get3A_118 = arith.constant 32 : index
        %get3A_119 = tpu.vector_load %arg10[%get3A_116, %get3A_117, %get3A_118] {strides = array<i32>} : memref<2x128x128xf32, #tpu.memory_space<vmem>>, vector<16xf32>,
        %mul3A_120 = arith.mulf %get3A_115, %get3A_119 : vector<16xf32>
        %add3A_121 = arith.addf %add3A_101, %mul3A_120 : vector<16xf32>
        %get3A_122 = arith.index_cast %rem3A_28 : i32 to index
        %get3A_123 = arith.index_cast %add3A_62 : i32 to index
        %get3A_124 = arith.constant 48 : index
        %get3A_125 = tpu.vector_load %arg9[%get3A_122, %get3A_123, %get3A_124] {strides = array<i32>} : memref<2x128x128xf32, #tpu.memory_space<vmem>>, vector<16xf32>,
        %get3A_126 = arith.index_cast %rem3A_28 : i32 to index
        %get3A_127 = arith.index_cast %add3A_62 : i32 to index
        %get3A_128 = arith.constant 48 : index
        %get3A_129 = tpu.vector_load %arg10[%get3A_126, %get3A_127, %get3A_128] {strides = array<i32>} : memref<2x128x128xf32, #tpu.memory_space<vmem>>, vector<16xf32>,
        %mul3A_130 = arith.mulf %get3A_125, %get3A_129 : vector<16xf32>
        %add3A_131 = arith.addf %add3A_111, %mul3A_130 : vector<16xf32>
        %get3A_132 = arith.index_cast %rem3A_28 : i32 to index
        %get3A_133 = arith.index_cast %add3A_64 : i32 to index
        %get3A_134 = arith.constant 48 : index
        %get3A_135 = tpu.vector_load %arg9[%get3A_132, %get3A_133, %get3A_134] {strides = array<i32>} : memref<2x128x128xf32, #tpu.memory_space<vmem>>, vector<16xf32>,
        %get3A_136 = arith.index_cast %rem3A_28 : i32 to index
        %get3A_137 = arith.index_cast %add3A_64 : i32 to index
        %get3A_138 = arith.constant 48 : index
        %get3A_139 = tpu.vector_load %arg10[%get3A_136, %get3A_137, %get3A_138] {strides = array<i32>} : memref<2x128x128xf32, #tpu.memory_space<vmem>>, vector<16xf32>,
        %mul3A_140 = arith.mulf %get3A_135, %get3A_139 : vector<16xf32>
        %add3A_141 = arith.addf %add3A_121, %mul3A_140 : vector<16xf32>
        %get3A_142 = arith.index_cast %rem3A_28 : i32 to index
        %get3A_143 = arith.index_cast %add3A_62 : i32 to index
        %get3A_144 = arith.constant 64 : index
        %get3A_145 = tpu.vector_load %arg9[%get3A_142, %get3A_143, %get3A_144] {strides = array<i32>} : memref<2x128x128xf32, #tpu.memory_space<vmem>>, vector<16xf32>,
        %get3A_146 = arith.index_cast %rem3A_28 : i32 to index
        %get3A_147 = arith.index_cast %add3A_62 : i32 to index
        %get3A_148 = arith.constant 64 : index
        %get3A_149 = tpu.vector_load %arg10[%get3A_146, %get3A_147, %get3A_148] {strides = array<i32>} : memref<2x128x128xf32, #tpu.memory_space<vmem>>, vector<16xf32>,
        %mul3A_150 = arith.mulf %get3A_145, %get3A_149 : vector<16xf32>
        %add3A_151 = arith.addf %add3A_131, %mul3A_150 : vector<16xf32>
        %get3A_152 = arith.index_cast %rem3A_28 : i32 to index
        %get3A_153 = arith.index_cast %add3A_64 : i32 to index
        %get3A_154 = arith.constant 64 : index
        %get3A_155 = tpu.vector_load %arg9[%get3A_152, %get3A_153, %get3A_154] {strides = array<i32>} : memref<2x128x128xf32, #tpu.memory_space<vmem>>, vector<16xf32>,
        %get3A_156 = arith.index_cast %rem3A_28 : i32 to index
        %get3A_157 = arith.index_cast %add3A_64 : i32 to index
        %get3A_158 = arith.constant 64 : index
        %get3A_159 = tpu.vector_load %arg10[%get3A_156, %get3A_157, %get3A_158] {strides = array<i32>} : memref<2x128x128xf32, #tpu.memory_space<vmem>>, vector<16xf32>,
        %mul3A_160 = arith.mulf %get3A_155, %get3A_159 : vector<16xf32>
        %add3A_161 = arith.addf %add3A_141, %mul3A_160 : vector<16xf32>
        %get3A_162 = arith.index_cast %rem3A_28 : i32 to index
        %get3A_163 = arith.index_cast %add3A_62 : i32 to index
        %get3A_164 = arith.constant 80 : index
        %get3A_165 = tpu.vector_load %arg9[%get3A_162, %get3A_163, %get3A_164] {strides = array<i32>} : memref<2x128x128xf32, #tpu.memory_space<vmem>>, vector<16xf32>,
        %get3A_166 = arith.index_cast %rem3A_28 : i32 to index
        %get3A_167 = arith.index_cast %add3A_62 : i32 to index
        %get3A_168 = arith.constant 80 : index
        %get3A_169 = tpu.vector_load %arg10[%get3A_166, %get3A_167, %get3A_168] {strides = array<i32>} : memref<2x128x128xf32, #tpu.memory_space<vmem>>, vector<16xf32>,
        %mul3A_170 = arith.mulf %get3A_165, %get3A_169 : vector<16xf32>
        %add3A_171 = arith.addf %add3A_151, %mul3A_170 : vector<16xf32>
        %get3A_172 = arith.index_cast %rem3A_28 : i32 to index
        %get3A_173 = arith.index_cast %add3A_64 : i32 to index
        %get3A_174 = arith.constant 80 : index
        %get3A_175 = tpu.vector_load %arg9[%get3A_172, %get3A_173, %get3A_174] {strides = array<i32>} : memref<2x128x128xf32, #tpu.memory_space<vmem>>, vector<16xf32>,
        %get3A_176 = arith.index_cast %rem3A_28 : i32 to index
        %get3A_177 = arith.index_cast %add3A_64 : i32 to index
        %get3A_178 = arith.constant 80 : index
        %get3A_179 = tpu.vector_load %arg10[%get3A_176, %get3A_177, %get3A_178] {strides = array<i32>} : memref<2x128x128xf32, #tpu.memory_space<vmem>>, vector<16xf32>,
        %mul3A_180 = arith.mulf %get3A_175, %get3A_179 : vector<16xf32>
        %add3A_181 = arith.addf %add3A_161, %mul3A_180 : vector<16xf32>
        %get3A_182 = arith.index_cast %rem3A_28 : i32 to index
        %get3A_183 = arith.index_cast %add3A_62 : i32 to index
        %get3A_184 = arith.constant 96 : index
        %get3A_185 = tpu.vector_load %arg9[%get3A_182, %get3A_183, %get3A_184] {strides = array<i32>} : memref<2x128x128xf32, #tpu.memory_space<vmem>>, vector<16xf32>,
        %get3A_186 = arith.index_cast %rem3A_28 : i32 to index
        %get3A_187 = arith.index_cast %add3A_62 : i32 to index
        %get3A_188 = arith.constant 96 : index
        %get3A_189 = tpu.vector_load %arg10[%get3A_186, %get3A_187, %get3A_188] {strides = array<i32>} : memref<2x128x128xf32, #tpu.memory_space<vmem>>, vector<16xf32>,
        %mul3A_190 = arith.mulf %get3A_185, %get3A_189 : vector<16xf32>
        %add3A_191 = arith.addf %add3A_171, %mul3A_190 : vector<16xf32>
        %get3A_192 = arith.index_cast %rem3A_28 : i32 to index
        %get3A_193 = arith.index_cast %add3A_64 : i32 to index
        %get3A_194 = arith.constant 96 : index
        %get3A_195 = tpu.vector_load %arg9[%get3A_192, %get3A_193, %get3A_194] {strides = array<i32>} : memref<2x128x128xf32, #tpu.memory_space<vmem>>, vector<16xf32>,
        %get3A_196 = arith.index_cast %rem3A_28 : i32 to index
        %get3A_197 = arith.index_cast %add3A_64 : i32 to index
        %get3A_198 = arith.constant 96 : index
        %get3A_199 = tpu.vector_load %arg10[%get3A_196, %get3A_197, %get3A_198] {strides = array<i32>} : memref<2x128x128xf32, #tpu.memory_space<vmem>>, vector<16xf32>,
        %mul3A_200 = arith.mulf %get3A_195, %get3A_199 : vector<16xf32>
        %add3A_201 = arith.addf %add3A_181, %mul3A_200 : vector<16xf32>
        %get3A_202 = arith.index_cast %rem3A_28 : i32 to index
        %get3A_203 = arith.index_cast %add3A_62 : i32 to index
        %get3A_204 = arith.constant 112 : index
        %get3A_205 = tpu.vector_load %arg9[%get3A_202, %get3A_203, %get3A_204] {strides = array<i32>} : memref<2x128x128xf32, #tpu.memory_space<vmem>>, vector<16xf32>,
        %get3A_206 = arith.index_cast %rem3A_28 : i32 to index
        %get3A_207 = arith.index_cast %add3A_62 : i32 to index
        %get3A_208 = arith.constant 112 : index
        %get3A_209 = tpu.vector_load %arg10[%get3A_206, %get3A_207, %get3A_208] {strides = array<i32>} : memref<2x128x128xf32, #tpu.memory_space<vmem>>, vector<16xf32>,
        %mul3A_210 = arith.mulf %get3A_205, %get3A_209 : vector<16xf32>
        %add3A_211 = arith.addf %add3A_191, %mul3A_210 : vector<16xf32>
        %get3A_212 = arith.index_cast %rem3A_28 : i32 to index
        %get3A_213 = arith.index_cast %add3A_64 : i32 to index
        %get3A_214 = arith.constant 112 : index
        %get3A_215 = tpu.vector_load %arg9[%get3A_212, %get3A_213, %get3A_214] {strides = array<i32>} : memref<2x128x128xf32, #tpu.memory_space<vmem>>, vector<16xf32>,
        %get3A_216 = arith.index_cast %rem3A_28 : i32 to index
        %get3A_217 = arith.index_cast %add3A_64 : i32 to index
        %get3A_218 = arith.constant 112 : index
        %get3A_219 = tpu.vector_load %arg10[%get3A_216, %get3A_217, %get3A_218] {strides = array<i32>} : memref<2x128x128xf32, #tpu.memory_space<vmem>>, vector<16xf32>,
        %mul3A_220 = arith.mulf %get3A_215, %get3A_219 : vector<16xf32>
        %add3A_221 = arith.addf %add3A_201, %mul3A_220 : vector<16xf32>
        %swap3A = arith.constant 0 : index
        %swap3A_222 = tpu.vector_load %arg11[%swap3A] {strides = array<i32>} : memref<256xf32, #tpu.memory_space<vmem>>, vector<16xf32>,
        tpu.vector_store %arg11[%swap3A], %add3A_211 {strides = array<i32>} : memref<256xf32, #tpu.memory_space<vmem>>, vector<16xf32>,
        %swap3A_223 = arith.constant 16 : index
        %swap3A_224 = tpu.vector_load %arg11[%swap3A_223] {strides = array<i32>} : memref<256xf32, #tpu.memory_space<vmem>>, vector<16xf32>,
        tpu.vector_store %arg11[%swap3A_223], %add3A_221 {strides = array<i32>} : memref<256xf32, #tpu.memory_space<vmem>>, vector<16xf32>,
        %mul3A_225 = arith.constant 16 : i32
        %mul3A_226 = arith.muli %scan3A_58, %mul3A_225 : i32
        %add3A_227 = arith.constant 2 : i32
        %add3A_228 = arith.addi %mul3A_226, %add3A_227 : i32
        %add3A_229 = arith.constant 1 : i32
        %add3A_230 = arith.addi %add3A_228, %add3A_229 : i32
        %get3A_231 = arith.index_cast %rem3A_28 : i32 to index
        %get3A_232 = arith.index_cast %add3A_228 : i32 to index
        %get3A_233 = arith.constant 0 : index
        %get3A_234 = tpu.vector_load %arg9[%get3A_231, %get3A_232, %get3A_233] {strides = array<i32>} : memref<2x128x128xf32, #tpu.memory_space<vmem>>, vector<16xf32>,
        %get3A_235 = arith.index_cast %rem3A_28 : i32 to index
        %get3A_236 = arith.index_cast %add3A_228 : i32 to index
        %get3A_237 = arith.constant 0 : index
        %get3A_238 = tpu.vector_load %arg10[%get3A_235, %get3A_236, %get3A_237] {strides = array<i32>} : memref<2x128x128xf32, #tpu.memory_space<vmem>>, vector<16xf32>,
        %mul3A_239 = arith.mulf %get3A_234, %get3A_238 : vector<16xf32>
        %get3A_240 = arith.index_cast %rem3A_28 : i32 to index
        %get3A_241 = arith.index_cast %add3A_230 : i32 to index
        %get3A_242 = arith.constant 0 : index
        %get3A_243 = tpu.vector_load %arg9[%get3A_240, %get3A_241, %get3A_242] {strides = array<i32>} : memref<2x128x128xf32, #tpu.memory_space<vmem>>, vector<16xf32>,
        %get3A_244 = arith.index_cast %rem3A_28 : i32 to index
        %get3A_245 = arith.index_cast %add3A_230 : i32 to index
        %get3A_246 = arith.constant 0 : index
        %get3A_247 = tpu.vector_load %arg10[%get3A_244, %get3A_245, %get3A_246] {strides = array<i32>} : memref<2x128x128xf32, #tpu.memory_space<vmem>>, vector<16xf32>,
        %mul3A_248 = arith.mulf %get3A_243, %get3A_247 : vector<16xf32>
        %get3A_249 = arith.index_cast %rem3A_28 : i32 to index
        %get3A_250 = arith.index_cast %add3A_228 : i32 to index
        %get3A_251 = arith.constant 16 : index
        %get3A_252 = tpu.vector_load %arg9[%get3A_249, %get3A_250, %get3A_251] {strides = array<i32>} : memref<2x128x128xf32, #tpu.memory_space<vmem>>, vector<16xf32>,
        %get3A_253 = arith.index_cast %rem3A_28 : i32 to index
        %get3A_254 = arith.index_cast %add3A_228 : i32 to index
        %get3A_255 = arith.constant 16 : index
        %get3A_256 = tpu.vector_load %arg10[%get3A_253, %get3A_254, %get3A_255] {strides = array<i32>} : memref<2x128x128xf32, #tpu.memory_space<vmem>>, vector<16xf32>,
        %mul3A_257 = arith.mulf %get3A_252, %get3A_256 : vector<16xf32>
        %add3A_258 = arith.addf %mul3A_239, %mul3A_257 : vector<16xf32>
        %get3A_259 = arith.index_cast %rem3A_28 : i32 to index
        %get3A_260 = arith.index_cast %add3A_230 : i32 to index
        %get3A_261 = arith.constant 16 : index
        %get3A_262 = tpu.vector_load %arg9[%get3A_259, %get3A_260, %get3A_261] {strides = array<i32>} : memref<2x128x128xf32, #tpu.memory_space<vmem>>, vector<16xf32>,
        %get3A_263 = arith.index_cast %rem3A_28 : i32 to index
        %get3A_264 = arith.index_cast %add3A_230 : i32 to index
        %get3A_265 = arith.constant 16 : index
        %get3A_266 = tpu.vector_load %arg10[%get3A_263, %get3A_264, %get3A_265] {strides = array<i32>} : memref<2x128x128xf32, #tpu.memory_space<vmem>>, vector<16xf32>,
        %mul3A_267 = arith.mulf %get3A_262, %get3A_266 : vector<16xf32>
        %add3A_268 = arith.addf %mul3A_248, %mul3A_267 : vector<16xf32>
        %get3A_269 = arith.index_cast %rem3A_28 : i32 to index
        %get3A_270 = arith.index_cast %add3A_228 : i32 to index
        %get3A_271 = arith.constant 32 : index
        %get3A_272 = tpu.vector_load %arg9[%get3A_269, %get3A_270, %get3A_271] {strides = array<i32>} : memref<2x128x128xf32, #tpu.memory_space<vmem>>, vector<16xf32>,
        %get3A_273 = arith.index_cast %rem3A_28 : i32 to index
        %get3A_274 = arith.index_cast %add3A_228 : i32 to index
        %get3A_275 = arith.constant 32 : index
        %get3A_276 = tpu.vector_load %arg10[%get3A_273, %get3A_274, %get3A_275] {strides = array<i32>} : memref<2x128x128xf32, #tpu.memory_space<vmem>>, vector<16xf32>,
        %mul3A_277 = arith.mulf %get3A_272, %get3A_276 : vector<16xf32>
        %add3A_278 = arith.addf %add3A_258, %mul3A_277 : vector<16xf32>
        %get3A_279 = arith.index_cast %rem3A_28 : i32 to index
        %get3A_280 = arith.index_cast %add3A_230 : i32 to index
        %get3A_281 = arith.constant 32 : index
        %get3A_282 = tpu.vector_load %arg9[%get3A_279, %get3A_280, %get3A_281] {strides = array<i32>} : memref<2x128x128xf32, #tpu.memory_space<vmem>>, vector<16xf32>,
        %get3A_283 = arith.index_cast %rem3A_28 : i32 to index
        %get3A_284 = arith.index_cast %add3A_230 : i32 to index
        %get3A_285 = arith.constant 32 : index
        %get3A_286 = tpu.vector_load %arg10[%get3A_283, %get3A_284, %get3A_285] {strides = array<i32>} : memref<2x128x128xf32, #tpu.memory_space<vmem>>, vector<16xf32>,
        %mul3A_287 = arith.mulf %get3A_282, %get3A_286 : vector<16xf32>
        %add3A_288 = arith.addf %add3A_268, %mul3A_287 : vector<16xf32>
        %get3A_289 = arith.index_cast %rem3A_28 : i32 to index
        %get3A_290 = arith.index_cast %add3A_228 : i32 to index
        %get3A_291 = arith.constant 48 : index
        %get3A_292 = tpu.vector_load %arg9[%get3A_289, %get3A_290, %get3A_291] {strides = array<i32>} : memref<2x128x128xf32, #tpu.memory_space<vmem>>, vector<16xf32>,
        %get3A_293 = arith.index_cast %rem3A_28 : i32 to index
        %get3A_294 = arith.index_cast %add3A_228 : i32 to index
        %get3A_295 = arith.constant 48 : index
        %get3A_296 = tpu.vector_load %arg10[%get3A_293, %get3A_294, %get3A_295] {strides = array<i32>} : memref<2x128x128xf32, #tpu.memory_space<vmem>>, vector<16xf32>,
        %mul3A_297 = arith.mulf %get3A_292, %get3A_296 : vector<16xf32>
        %add3A_298 = arith.addf %add3A_278, %mul3A_297 : vector<16xf32>
        %get3A_299 = arith.index_cast %rem3A_28 : i32 to index
        %get3A_300 = arith.index_cast %add3A_230 : i32 to index
        %get3A_301 = arith.constant 48 : index
        %get3A_302 = tpu.vector_load %arg9[%get3A_299, %get3A_300, %get3A_301] {strides = array<i32>} : memref<2x128x128xf32, #tpu.memory_space<vmem>>, vector<16xf32>,
        %get3A_303 = arith.index_cast %rem3A_28 : i32 to index
        %get3A_304 = arith.index_cast %add3A_230 : i32 to index
        %get3A_305 = arith.constant 48 : index
        %get3A_306 = tpu.vector_load %arg10[%get3A_303, %get3A_304, %get3A_305] {strides = array<i32>} : memref<2x128x128xf32, #tpu.memory_space<vmem>>, vector<16xf32>,
        %mul3A_307 = arith.mulf %get3A_302, %get3A_306 : vector<16xf32>
        %add3A_308 = arith.addf %add3A_288, %mul3A_307 : vector<16xf32>
        %get3A_309 = arith.index_cast %rem3A_28 : i32 to index
        %get3A_310 = arith.index_cast %add3A_228 : i32 to index
        %get3A_311 = arith.constant 64 : index
        %get3A_312 = tpu.vector_load %arg9[%get3A_309, %get3A_310, %get3A_311] {strides = array<i32>} : memref<2x128x128xf32, #tpu.memory_space<vmem>>, vector<16xf32>,
        %get3A_313 = arith.index_cast %rem3A_28 : i32 to index
        %get3A_314 = arith.index_cast %add3A_228 : i32 to index
        %get3A_315 = arith.constant 64 : index
        %get3A_316 = tpu.vector_load %arg10[%get3A_313, %get3A_314, %get3A_315] {strides = array<i32>} : memref<2x128x128xf32, #tpu.memory_space<vmem>>, vector<16xf32>,
        %mul3A_317 = arith.mulf %get3A_312, %get3A_316 : vector<16xf32>
        %add3A_318 = arith.addf %add3A_298, %mul3A_317 : vector<16xf32>
        %get3A_319 = arith.index_cast %rem3A_28 : i32 to index
        %get3A_320 = arith.index_cast %add3A_230 : i32 to index
        %get3A_321 = arith.constant 64 : index
        %get3A_322 = tpu.vector_load %arg9[%get3A_319, %get3A_320, %get3A_321] {strides = array<i32>} : memref<2x128x128xf32, #tpu.memory_space<vmem>>, vector<16xf32>,
        %get3A_323 = arith.index_cast %rem3A_28 : i32 to index
        %get3A_324 = arith.index_cast %add3A_230 : i32 to index
        %get3A_325 = arith.constant 64 : index
        %get3A_326 = tpu.vector_load %arg10[%get3A_323, %get3A_324, %get3A_325] {strides = array<i32>} : memref<2x128x128xf32, #tpu.memory_space<vmem>>, vector<16xf32>,
        %mul3A_327 = arith.mulf %get3A_322, %get3A_326 : vector<16xf32>
        %add3A_328 = arith.addf %add3A_308, %mul3A_327 : vector<16xf32>
        %get3A_329 = arith.index_cast %rem3A_28 : i32 to index
        %get3A_330 = arith.index_cast %add3A_228 : i32 to index
        %get3A_331 = arith.constant 80 : index
        %get3A_332 = tpu.vector_load %arg9[%get3A_329, %get3A_330, %get3A_331] {strides = array<i32>} : memref<2x128x128xf32, #tpu.memory_space<vmem>>, vector<16xf32>,
        %get3A_333 = arith.index_cast %rem3A_28 : i32 to index
        %get3A_334 = arith.index_cast %add3A_228 : i32 to index
        %get3A_335 = arith.constant 80 : index
        %get3A_336 = tpu.vector_load %arg10[%get3A_333, %get3A_334, %get3A_335] {strides = array<i32>} : memref<2x128x128xf32, #tpu.memory_space<vmem>>, vector<16xf32>,
        %mul3A_337 = arith.mulf %get3A_332, %get3A_336 : vector<16xf32>
        %add3A_338 = arith.addf %add3A_318, %mul3A_337 : vector<16xf32>
        %get3A_339 = arith.index_cast %rem3A_28 : i32 to index
        %get3A_340 = arith.index_cast %add3A_230 : i32 to index
        %get3A_341 = arith.constant 80 : index
        %get3A_342 = tpu.vector_load %arg9[%get3A_339, %get3A_340, %get3A_341] {strides = array<i32>} : memref<2x128x128xf32, #tpu.memory_space<vmem>>, vector<16xf32>,
        %get3A_343 = arith.index_cast %rem3A_28 : i32 to index
        %get3A_344 = arith.index_cast %add3A_230 : i32 to index
        %get3A_345 = arith.constant 80 : index
        %get3A_346 = tpu.vector_load %arg10[%get3A_343, %get3A_344, %get3A_345] {strides = array<i32>} : memref<2x128x128xf32, #tpu.memory_space<vmem>>, vector<16xf32>,
        %mul3A_347 = arith.mulf %get3A_342, %get3A_346 : vector<16xf32>
        %add3A_348 = arith.addf %add3A_328, %mul3A_347 : vector<16xf32>
        %get3A_349 = arith.index_cast %rem3A_28 : i32 to index
        %get3A_350 = arith.index_cast %add3A_228 : i32 to index
        %get3A_351 = arith.constant 96 : index
        %get3A_352 = tpu.vector_load %arg9[%get3A_349, %get3A_350, %get3A_351] {strides = array<i32>} : memref<2x128x128xf32, #tpu.memory_space<vmem>>, vector<16xf32>,
        %get3A_353 = arith.index_cast %rem3A_28 : i32 to index
        %get3A_354 = arith.index_cast %add3A_228 : i32 to index
        %get3A_355 = arith.constant 96 : index
        %get3A_356 = tpu.vector_load %arg10[%get3A_353, %get3A_354, %get3A_355] {strides = array<i32>} : memref<2x128x128xf32, #tpu.memory_space<vmem>>, vector<16xf32>,
        %mul3A_357 = arith.mulf %get3A_352, %get3A_356 : vector<16xf32>
        %add3A_358 = arith.addf %add3A_338, %mul3A_357 : vector<16xf32>
        %get3A_359 = arith.index_cast %rem3A_28 : i32 to index
        %get3A_360 = arith.index_cast %add3A_230 : i32 to index
        %get3A_361 = arith.constant 96 : index
        %get3A_362 = tpu.vector_load %arg9[%get3A_359, %get3A_360, %get3A_361] {strides = array<i32>} : memref<2x128x128xf32, #tpu.memory_space<vmem>>, vector<16xf32>,
        %get3A_363 = arith.index_cast %rem3A_28 : i32 to index
        %get3A_364 = arith.index_cast %add3A_230 : i32 to index
        %get3A_365 = arith.constant 96 : index
        %get3A_366 = tpu.vector_load %arg10[%get3A_363, %get3A_364, %get3A_365] {strides = array<i32>} : memref<2x128x128xf32, #tpu.memory_space<vmem>>, vector<16xf32>,
        %mul3A_367 = arith.mulf %get3A_362, %get3A_366 : vector<16xf32>
        %add3A_368 = arith.addf %add3A_348, %mul3A_367 : vector<16xf32>
        %get3A_369 = arith.index_cast %rem3A_28 : i32 to index
        %get3A_370 = arith.index_cast %add3A_228 : i32 to index
        %get3A_371 = arith.constant 112 : index
        %get3A_372 = tpu.vector_load %arg9[%get3A_369, %get3A_370, %get3A_371] {strides = array<i32>} : memref<2x128x128xf32, #tpu.memory_space<vmem>>, vector<16xf32>,
        %get3A_373 = arith.index_cast %rem3A_28 : i32 to index
        %get3A_374 = arith.index_cast %add3A_228 : i32 to index
        %get3A_375 = arith.constant 112 : index
        %get3A_376 = tpu.vector_load %arg10[%get3A_373, %get3A_374, %get3A_375] {strides = array<i32>} : memref<2x128x128xf32, #tpu.memory_space<vmem>>, vector<16xf32>,
        %mul3A_377 = arith.mulf %get3A_372, %get3A_376 : vector<16xf32>
        %add3A_378 = arith.addf %add3A_358, %mul3A_377 : vector<16xf32>
        %get3A_379 = arith.index_cast %rem3A_28 : i32 to index
        %get3A_380 = arith.index_cast %add3A_230 : i32 to index
        %get3A_381 = arith.constant 112 : index
        %get3A_382 = tpu.vector_load %arg9[%get3A_379, %get3A_380, %get3A_381] {strides = array<i32>} : memref<2x128x128xf32, #tpu.memory_space<vmem>>, vector<16xf32>,
        %get3A_383 = arith.index_cast %rem3A_28 : i32 to index
        %get3A_384 = arith.index_cast %add3A_230 : i32 to index
        %get3A_385 = arith.constant 112 : index
        %get3A_386 = tpu.vector_load %arg10[%get3A_383, %get3A_384, %get3A_385] {strides = array<i32>} : memref<2x128x128xf32, #tpu.memory_space<vmem>>, vector<16xf32>,
        %mul3A_387 = arith.mulf %get3A_382, %get3A_386 : vector<16xf32>
        %add3A_388 = arith.addf %add3A_368, %mul3A_387 : vector<16xf32>
        %swap3A_389 = arith.constant 32 : index
        %swap3A_390 = tpu.vector_load %arg11[%swap3A_389] {strides = array<i32>} : memref<256xf32, #tpu.memory_space<vmem>>, vector<16xf32>,
        tpu.vector_store %arg11[%swap3A_389], %add3A_378 {strides = array<i32>} : memref<256xf32, #tpu.memory_space<vmem>>, vector<16xf32>,
        %swap3A_391 = arith.constant 48 : index
        %swap3A_392 = tpu.vector_load %arg11[%swap3A_391] {strides = array<i32>} : memref<256xf32, #tpu.memory_space<vmem>>, vector<16xf32>,
        tpu.vector_store %arg11[%swap3A_391], %add3A_388 {strides = array<i32>} : memref<256xf32, #tpu.memory_space<vmem>>, vector<16xf32>,
        %mul3A_393 = arith.constant 16 : i32
        %mul3A_394 = arith.muli %scan3A_58, %mul3A_393 : i32
        %add3A_395 = arith.constant 4 : i32
        %add3A_396 = arith.addi %mul3A_394, %add3A_395 : i32
        %add3A_397 = arith.constant 1 : i32
        %add3A_398 = arith.addi %add3A_396, %add3A_397 : i32
        %get3A_399 = arith.index_cast %rem3A_28 : i32 to index
        %get3A_400 = arith.index_cast %add3A_396 : i32 to index
        %get3A_401 = arith.constant 0 : index
        %get3A_402 = tpu.vector_load %arg9[%get3A_399, %get3A_400, %get3A_401] {strides = array<i32>} : memref<2x128x128xf32, #tpu.memory_space<vmem>>, vector<16xf32>,
        %get3A_403 = arith.index_cast %rem3A_28 : i32 to index
        %get3A_404 = arith.index_cast %add3A_396 : i32 to index
        %get3A_405 = arith.constant 0 : index
        %get3A_406 = tpu.vector_load %arg10[%get3A_403, %get3A_404, %get3A_405] {strides = array<i32>} : memref<2x128x128xf32, #tpu.memory_space<vmem>>, vector<16xf32>,
        %mul3A_407 = arith.mulf %get3A_402, %get3A_406 : vector<16xf32>
        %get3A_408 = arith.index_cast %rem3A_28 : i32 to index
        %get3A_409 = arith.index_cast %add3A_398 : i32 to index
        %get3A_410 = arith.constant 0 : index
        %get3A_411 = tpu.vector_load %arg9[%get3A_408, %get3A_409, %get3A_410] {strides = array<i32>} : memref<2x128x128xf32, #tpu.memory_space<vmem>>, vector<16xf32>,
        %get3A_412 = arith.index_cast %rem3A_28 : i32 to index
        %get3A_413 = arith.index_cast %add3A_398 : i32 to index
        %get3A_414 = arith.constant 0 : index
        %get3A_415 = tpu.vector_load %arg10[%get3A_412, %get3A_413, %get3A_414] {strides = array<i32>} : memref<2x128x128xf32, #tpu.memory_space<vmem>>, vector<16xf32>,
        %mul3A_416 = arith.mulf %get3A_411, %get3A_415 : vector<16xf32>
        %get3A_417 = arith.index_cast %rem3A_28 : i32 to index
        %get3A_418 = arith.index_cast %add3A_396 : i32 to index
        %get3A_419 = arith.constant 16 : index
        %get3A_420 = tpu.vector_load %arg9[%get3A_417, %get3A_418, %get3A_419] {strides = array<i32>} : memref<2x128x128xf32, #tpu.memory_space<vmem>>, vector<16xf32>,
        %get3A_421 = arith.index_cast %rem3A_28 : i32 to index
        %get3A_422 = arith.index_cast %add3A_396 : i32 to index
        %get3A_423 = arith.constant 16 : index
        %get3A_424 = tpu.vector_load %arg10[%get3A_421, %get3A_422, %get3A_423] {strides = array<i32>} : memref<2x128x128xf32, #tpu.memory_space<vmem>>, vector<16xf32>,
        %mul3A_425 = arith.mulf %get3A_420, %get3A_424 : vector<16xf32>
        %add3A_426 = arith.addf %mul3A_407, %mul3A_425 : vector<16xf32>
        %get3A_427 = arith.index_cast %rem3A_28 : i32 to index
        %get3A_428 = arith.index_cast %add3A_398 : i32 to index
        %get3A_429 = arith.constant 16 : index
        %get3A_430 = tpu.vector_load %arg9[%get3A_427, %get3A_428, %get3A_429] {strides = array<i32>} : memref<2x128x128xf32, #tpu.memory_space<vmem>>, vector<16xf32>,
        %get3A_431 = arith.index_cast %rem3A_28 : i32 to index
        %get3A_432 = arith.index_cast %add3A_398 : i32 to index
        %get3A_433 = arith.constant 16 : index
        %get3A_434 = tpu.vector_load %arg10[%get3A_431, %get3A_432, %get3A_433] {strides = array<i32>} : memref<2x128x128xf32, #tpu.memory_space<vmem>>, vector<16xf32>,
        %mul3A_435 = arith.mulf %get3A_430, %get3A_434 : vector<16xf32>
        %add3A_436 = arith.addf %mul3A_416, %mul3A_435 : vector<16xf32>
        %get3A_437 = arith.index_cast %rem3A_28 : i32 to index
        %get3A_438 = arith.index_cast %add3A_396 : i32 to index
        %get3A_439 = arith.constant 32 : index
        %get3A_440 = tpu.vector_load %arg9[%get3A_437, %get3A_438, %get3A_439] {strides = array<i32>} : memref<2x128x128xf32, #tpu.memory_space<vmem>>, vector<16xf32>,
        %get3A_441 = arith.index_cast %rem3A_28 : i32 to index
        %get3A_442 = arith.index_cast %add3A_396 : i32 to index
        %get3A_443 = arith.constant 32 : index
        %get3A_444 = tpu.vector_load %arg10[%get3A_441, %get3A_442, %get3A_443] {strides = array<i32>} : memref<2x128x128xf32, #tpu.memory_space<vmem>>, vector<16xf32>,
        %mul3A_445 = arith.mulf %get3A_440, %get3A_444 : vector<16xf32>
        %add3A_446 = arith.addf %add3A_426, %mul3A_445 : vector<16xf32>
        %get3A_447 = arith.index_cast %rem3A_28 : i32 to index
        %get3A_448 = arith.index_cast %add3A_398 : i32 to index
        %get3A_449 = arith.constant 32 : index
        %get3A_450 = tpu.vector_load %arg9[%get3A_447, %get3A_448, %get3A_449] {strides = array<i32>} : memref<2x128x128xf32, #tpu.memory_space<vmem>>, vector<16xf32>,
        %get3A_451 = arith.index_cast %rem3A_28 : i32 to index
        %get3A_452 = arith.index_cast %add3A_398 : i32 to index
        %get3A_453 = arith.constant 32 : index
        %get3A_454 = tpu.vector_load %arg10[%get3A_451, %get3A_452, %get3A_453] {strides = array<i32>} : memref<2x128x128xf32, #tpu.memory_space<vmem>>, vector<16xf32>,
        %mul3A_455 = arith.mulf %get3A_450, %get3A_454 : vector<16xf32>
        %add3A_456 = arith.addf %add3A_436, %mul3A_455 : vector<16xf32>
        %get3A_457 = arith.index_cast %rem3A_28 : i32 to index
        %get3A_458 = arith.index_cast %add3A_396 : i32 to index
        %get3A_459 = arith.constant 48 : index
        %get3A_460 = tpu.vector_load %arg9[%get3A_457, %get3A_458, %get3A_459] {strides = array<i32>} : memref<2x128x128xf32, #tpu.memory_space<vmem>>, vector<16xf32>,
        %get3A_461 = arith.index_cast %rem3A_28 : i32 to index
        %get3A_462 = arith.index_cast %add3A_396 : i32 to index
        %get3A_463 = arith.constant 48 : index
        %get3A_464 = tpu.vector_load %arg10[%get3A_461, %get3A_462, %get3A_463] {strides = array<i32>} : memref<2x128x128xf32, #tpu.memory_space<vmem>>, vector<16xf32>,
        %mul3A_465 = arith.mulf %get3A_460, %get3A_464 : vector<16xf32>
        %add3A_466 = arith.addf %add3A_446, %mul3A_465 : vector<16xf32>
        %get3A_467 = arith.index_cast %rem3A_28 : i32 to index
        %get3A_468 = arith.index_cast %add3A_398 : i32 to index
        %get3A_469 = arith.constant 48 : index
        %get3A_470 = tpu.vector_load %arg9[%get3A_467, %get3A_468, %get3A_469] {strides = array<i32>} : memref<2x128x128xf32, #tpu.memory_space<vmem>>, vector<16xf32>,
        %get3A_471 = arith.index_cast %rem3A_28 : i32 to index
        %get3A_472 = arith.index_cast %add3A_398 : i32 to index
        %get3A_473 = arith.constant 48 : index
        %get3A_474 = tpu.vector_load %arg10[%get3A_471, %get3A_472, %get3A_473] {strides = array<i32>} : memref<2x128x128xf32, #tpu.memory_space<vmem>>, vector<16xf32>,
        %mul3A_475 = arith.mulf %get3A_470, %get3A_474 : vector<16xf32>
        %add3A_476 = arith.addf %add3A_456, %mul3A_475 : vector<16xf32>
        %get3A_477 = arith.index_cast %rem3A_28 : i32 to index
        %get3A_478 = arith.index_cast %add3A_396 : i32 to index
        %get3A_479 = arith.constant 64 : index
        %get3A_480 = tpu.vector_load %arg9[%get3A_477, %get3A_478, %get3A_479] {strides = array<i32>} : memref<2x128x128xf32, #tpu.memory_space<vmem>>, vector<16xf32>,
        %get3A_481 = arith.index_cast %rem3A_28 : i32 to index
        %get3A_482 = arith.index_cast %add3A_396 : i32 to index
        %get3A_483 = arith.constant 64 : index
        %get3A_484 = tpu.vector_load %arg10[%get3A_481, %get3A_482, %get3A_483] {strides = array<i32>} : memref<2x128x128xf32, #tpu.memory_space<vmem>>, vector<16xf32>,
        %mul3A_485 = arith.mulf %get3A_480, %get3A_484 : vector<16xf32>
        %add3A_486 = arith.addf %add3A_466, %mul3A_485 : vector<16xf32>
        %get3A_487 = arith.index_cast %rem3A_28 : i32 to index
        %get3A_488 = arith.index_cast %add3A_398 : i32 to index
        %get3A_489 = arith.constant 64 : index
        %get3A_490 = tpu.vector_load %arg9[%get3A_487, %get3A_488, %get3A_489] {strides = array<i32>} : memref<2x128x128xf32, #tpu.memory_space<vmem>>, vector<16xf32>,
        %get3A_491 = arith.index_cast %rem3A_28 : i32 to index
        %get3A_492 = arith.index_cast %add3A_398 : i32 to index
        %get3A_493 = arith.constant 64 : index
        %get3A_494 = tpu.vector_load %arg10[%get3A_491, %get3A_492, %get3A_493] {strides = array<i32>} : memref<2x128x128xf32, #tpu.memory_space<vmem>>, vector<16xf32>,
        %mul3A_495 = arith.mulf %get3A_490, %get3A_494 : vector<16xf32>
        %add3A_496 = arith.addf %add3A_476, %mul3A_495 : vector<16xf32>
        %get3A_497 = arith.index_cast %rem3A_28 : i32 to index
        %get3A_498 = arith.index_cast %add3A_396 : i32 to index
        %get3A_499 = arith.constant 80 : index
        %get3A_500 = tpu.vector_load %arg9[%get3A_497, %get3A_498, %get3A_499] {strides = array<i32>} : memref<2x128x128xf32, #tpu.memory_space<vmem>>, vector<16xf32>,
        %get3A_501 = arith.index_cast %rem3A_28 : i32 to index
        %get3A_502 = arith.index_cast %add3A_396 : i32 to index
        %get3A_503 = arith.constant 80 : index
        %get3A_504 = tpu.vector_load %arg10[%get3A_501, %get3A_502, %get3A_503] {strides = array<i32>} : memref<2x128x128xf32, #tpu.memory_space<vmem>>, vector<16xf32>,
        %mul3A_505 = arith.mulf %get3A_500, %get3A_504 : vector<16xf32>
        %add3A_506 = arith.addf %add3A_486, %mul3A_505 : vector<16xf32>
        %get3A_507 = arith.index_cast %rem3A_28 : i32 to index
        %get3A_508 = arith.index_cast %add3A_398 : i32 to index
        %get3A_509 = arith.constant 80 : index
        %get3A_510 = tpu.vector_load %arg9[%get3A_507, %get3A_508, %get3A_509] {strides = array<i32>} : memref<2x128x128xf32, #tpu.memory_space<vmem>>, vector<16xf32>,
        %get3A_511 = arith.index_cast %rem3A_28 : i32 to index
        %get3A_512 = arith.index_cast %add3A_398 : i32 to index
        %get3A_513 = arith.constant 80 : index
        %get3A_514 = tpu.vector_load %arg10[%get3A_511, %get3A_512, %get3A_513] {strides = array<i32>} : memref<2x128x128xf32, #tpu.memory_space<vmem>>, vector<16xf32>,
        %mul3A_515 = arith.mulf %get3A_510, %get3A_514 : vector<16xf32>
        %add3A_516 = arith.addf %add3A_496, %mul3A_515 : vector<16xf32>
        %get3A_517 = arith.index_cast %rem3A_28 : i32 to index
        %get3A_518 = arith.index_cast %add3A_396 : i32 to index
        %get3A_519 = arith.constant 96 : index
        %get3A_520 = tpu.vector_load %arg9[%get3A_517, %get3A_518, %get3A_519] {strides = array<i32>} : memref<2x128x128xf32, #tpu.memory_space<vmem>>, vector<16xf32>,
        %get3A_521 = arith.index_cast %rem3A_28 : i32 to index
        %get3A_522 = arith.index_cast %add3A_396 : i32 to index
        %get3A_523 = arith.constant 96 : index
        %get3A_524 = tpu.vector_load %arg10[%get3A_521, %get3A_522, %get3A_523] {strides = array<i32>} : memref<2x128x128xf32, #tpu.memory_space<vmem>>, vector<16xf32>,
        %mul3A_525 = arith.mulf %get3A_520, %get3A_524 : vector<16xf32>
        %add3A_526 = arith.addf %add3A_506, %mul3A_525 : vector<16xf32>
        %get3A_527 = arith.index_cast %rem3A_28 : i32 to index
        %get3A_528 = arith.index_cast %add3A_398 : i32 to index
        %get3A_529 = arith.constant 96 : index
        %get3A_530 = tpu.vector_load %arg9[%get3A_527, %get3A_528, %get3A_529] {strides = array<i32>} : memref<2x128x128xf32, #tpu.memory_space<vmem>>, vector<16xf32>,
        %get3A_531 = arith.index_cast %rem3A_28 : i32 to index
        %get3A_532 = arith.index_cast %add3A_398 : i32 to index
        %get3A_533 = arith.constant 96 : index
        %get3A_534 = tpu.vector_load %arg10[%get3A_531, %get3A_532, %get3A_533] {strides = array<i32>} : memref<2x128x128xf32, #tpu.memory_space<vmem>>, vector<16xf32>,
        %mul3A_535 = arith.mulf %get3A_530, %get3A_534 : vector<16xf32>
        %add3A_536 = arith.addf %add3A_516, %mul3A_535 : vector<16xf32>
        %get3A_537 = arith.index_cast %rem3A_28 : i32 to index
        %get3A_538 = arith.index_cast %add3A_396 : i32 to index
        %get3A_539 = arith.constant 112 : index
        %get3A_540 = tpu.vector_load %arg9[%get3A_537, %get3A_538, %get3A_539] {strides = array<i32>} : memref<2x128x128xf32, #tpu.memory_space<vmem>>, vector<16xf32>,
        %get3A_541 = arith.index_cast %rem3A_28 : i32 to index
        %get3A_542 = arith.index_cast %add3A_396 : i32 to index
        %get3A_543 = arith.constant 112 : index
        %get3A_544 = tpu.vector_load %arg10[%get3A_541, %get3A_542, %get3A_543] {strides = array<i32>} : memref<2x128x128xf32, #tpu.memory_space<vmem>>, vector<16xf32>,
        %mul3A_545 = arith.mulf %get3A_540, %get3A_544 : vector<16xf32>
        %add3A_546 = arith.addf %add3A_526, %mul3A_545 : vector<16xf32>
        %get3A_547 = arith.index_cast %rem3A_28 : i32 to index
        %get3A_548 = arith.index_cast %add3A_398 : i32 to index
        %get3A_549 = arith.constant 112 : index
        %get3A_550 = tpu.vector_load %arg9[%get3A_547, %get3A_548, %get3A_549] {strides = array<i32>} : memref<2x128x128xf32, #tpu.memory_space<vmem>>, vector<16xf32>,
        %get3A_551 = arith.index_cast %rem3A_28 : i32 to index
        %get3A_552 = arith.index_cast %add3A_398 : i32 to index
        %get3A_553 = arith.constant 112 : index
        %get3A_554 = tpu.vector_load %arg10[%get3A_551, %get3A_552, %get3A_553] {strides = array<i32>} : memref<2x128x128xf32, #tpu.memory_space<vmem>>, vector<16xf32>,
        %mul3A_555 = arith.mulf %get3A_550, %get3A_554 : vector<16xf32>
        %add3A_556 = arith.addf %add3A_536, %mul3A_555 : vector<16xf32>
        %swap3A_557 = arith.constant 64 : index
        %swap3A_558 = tpu.vector_load %arg11[%swap3A_557] {strides = array<i32>} : memref<256xf32, #tpu.memory_space<vmem>>, vector<16xf32>,
        tpu.vector_store %arg11[%swap3A_557], %add3A_546 {strides = array<i32>} : memref<256xf32, #tpu.memory_space<vmem>>, vector<16xf32>,
        %swap3A_559 = arith.constant 80 : index
        %swap3A_560 = tpu.vector_load %arg11[%swap3A_559] {strides = array<i32>} : memref<256xf32, #tpu.memory_space<vmem>>, vector<16xf32>,
        tpu.vector_store %arg11[%swap3A_559], %add3A_556 {strides = array<i32>} : memref<256xf32, #tpu.memory_space<vmem>>, vector<16xf32>,
        %mul3A_561 = arith.constant 16 : i32
        %mul3A_562 = arith.muli %scan3A_58, %mul3A_561 : i32
        %add3A_563 = arith.constant 6 : i32
        %add3A_564 = arith.addi %mul3A_562, %add3A_563 : i32
        %add3A_565 = arith.constant 1 : i32
        %add3A_566 = arith.addi %add3A_564, %add3A_565 : i32
        %get3A_567 = arith.index_cast %rem3A_28 : i32 to index
        %get3A_568 = arith.index_cast %add3A_564 : i32 to index
        %get3A_569 = arith.constant 0 : index
        %get3A_570 = tpu.vector_load %arg9[%get3A_567, %get3A_568, %get3A_569] {strides = array<i32>} : memref<2x128x128xf32, #tpu.memory_space<vmem>>, vector<16xf32>,
        %get3A_571 = arith.index_cast %rem3A_28 : i32 to index
        %get3A_572 = arith.index_cast %add3A_564 : i32 to index
        %get3A_573 = arith.constant 0 : index
        %get3A_574 = tpu.vector_load %arg10[%get3A_571, %get3A_572, %get3A_573] {strides = array<i32>} : memref<2x128x128xf32, #tpu.memory_space<vmem>>, vector<16xf32>,
        %mul3A_575 = arith.mulf %get3A_570, %get3A_574 : vector<16xf32>
        %get3A_576 = arith.index_cast %rem3A_28 : i32 to index
        %get3A_577 = arith.index_cast %add3A_566 : i32 to index
        %get3A_578 = arith.constant 0 : index
        %get3A_579 = tpu.vector_load %arg9[%get3A_576, %get3A_577, %get3A_578] {strides = array<i32>} : memref<2x128x128xf32, #tpu.memory_space<vmem>>, vector<16xf32>,
        %get3A_580 = arith.index_cast %rem3A_28 : i32 to index
        %get3A_581 = arith.index_cast %add3A_566 : i32 to index
        %get3A_582 = arith.constant 0 : index
        %get3A_583 = tpu.vector_load %arg10[%get3A_580, %get3A_581, %get3A_582] {strides = array<i32>} : memref<2x128x128xf32, #tpu.memory_space<vmem>>, vector<16xf32>,
        %mul3A_584 = arith.mulf %get3A_579, %get3A_583 : vector<16xf32>
        %get3A_585 = arith.index_cast %rem3A_28 : i32 to index
        %get3A_586 = arith.index_cast %add3A_564 : i32 to index
        %get3A_587 = arith.constant 16 : index
        %get3A_588 = tpu.vector_load %arg9[%get3A_585, %get3A_586, %get3A_587] {strides = array<i32>} : memref<2x128x128xf32, #tpu.memory_space<vmem>>, vector<16xf32>,
        %get3A_589 = arith.index_cast %rem3A_28 : i32 to index
        %get3A_590 = arith.index_cast %add3A_564 : i32 to index
        %get3A_591 = arith.constant 16 : index
        %get3A_592 = tpu.vector_load %arg10[%get3A_589, %get3A_590, %get3A_591] {strides = array<i32>} : memref<2x128x128xf32, #tpu.memory_space<vmem>>, vector<16xf32>,
        %mul3A_593 = arith.mulf %get3A_588, %get3A_592 : vector<16xf32>
        %add3A_594 = arith.addf %mul3A_575, %mul3A_593 : vector<16xf32>
        %get3A_595 = arith.index_cast %rem3A_28 : i32 to index
        %get3A_596 = arith.index_cast %add3A_566 : i32 to index
        %get3A_597 = arith.constant 16 : index
        %get3A_598 = tpu.vector_load %arg9[%get3A_595, %get3A_596, %get3A_597] {strides = array<i32>} : memref<2x128x128xf32, #tpu.memory_space<vmem>>, vector<16xf32>,
        %get3A_599 = arith.index_cast %rem3A_28 : i32 to index
        %get3A_600 = arith.index_cast %add3A_566 : i32 to index
        %get3A_601 = arith.constant 16 : index
        %get3A_602 = tpu.vector_load %arg10[%get3A_599, %get3A_600, %get3A_601] {strides = array<i32>} : memref<2x128x128xf32, #tpu.memory_space<vmem>>, vector<16xf32>,
        %mul3A_603 = arith.mulf %get3A_598, %get3A_602 : vector<16xf32>
        %add3A_604 = arith.addf %mul3A_584, %mul3A_603 : vector<16xf32>
        %get3A_605 = arith.index_cast %rem3A_28 : i32 to index
        %get3A_606 = arith.index_cast %add3A_564 : i32 to index
        %get3A_607 = arith.constant 32 : index
        %get3A_608 = tpu.vector_load %arg9[%get3A_605, %get3A_606, %get3A_607] {strides = array<i32>} : memref<2x128x128xf32, #tpu.memory_space<vmem>>, vector<16xf32>,
        %get3A_609 = arith.index_cast %rem3A_28 : i32 to index
        %get3A_610 = arith.index_cast %add3A_564 : i32 to index
        %get3A_611 = arith.constant 32 : index
        %get3A_612 = tpu.vector_load %arg10[%get3A_609, %get3A_610, %get3A_611] {strides = array<i32>} : memref<2x128x128xf32, #tpu.memory_space<vmem>>, vector<16xf32>,
        %mul3A_613 = arith.mulf %get3A_608, %get3A_612 : vector<16xf32>
        %add3A_614 = arith.addf %add3A_594, %mul3A_613 : vector<16xf32>
        %get3A_615 = arith.index_cast %rem3A_28 : i32 to index
        %get3A_616 = arith.index_cast %add3A_566 : i32 to index
        %get3A_617 = arith.constant 32 : index
        %get3A_618 = tpu.vector_load %arg9[%get3A_615, %get3A_616, %get3A_617] {strides = array<i32>} : memref<2x128x128xf32, #tpu.memory_space<vmem>>, vector<16xf32>,
        %get3A_619 = arith.index_cast %rem3A_28 : i32 to index
        %get3A_620 = arith.index_cast %add3A_566 : i32 to index
        %get3A_621 = arith.constant 32 : index
        %get3A_622 = tpu.vector_load %arg10[%get3A_619, %get3A_620, %get3A_621] {strides = array<i32>} : memref<2x128x128xf32, #tpu.memory_space<vmem>>, vector<16xf32>,
        %mul3A_623 = arith.mulf %get3A_618, %get3A_622 : vector<16xf32>
        %add3A_624 = arith.addf %add3A_604, %mul3A_623 : vector<16xf32>
        %get3A_625 = arith.index_cast %rem3A_28 : i32 to index
        %get3A_626 = arith.index_cast %add3A_564 : i32 to index
        %get3A_627 = arith.constant 48 : index
        %get3A_628 = tpu.vector_load %arg9[%get3A_625, %get3A_626, %get3A_627] {strides = array<i32>} : memref<2x128x128xf32, #tpu.memory_space<vmem>>, vector<16xf32>,
        %get3A_629 = arith.index_cast %rem3A_28 : i32 to index
        %get3A_630 = arith.index_cast %add3A_564 : i32 to index
        %get3A_631 = arith.constant 48 : index
        %get3A_632 = tpu.vector_load %arg10[%get3A_629, %get3A_630, %get3A_631] {strides = array<i32>} : memref<2x128x128xf32, #tpu.memory_space<vmem>>, vector<16xf32>,
        %mul3A_633 = arith.mulf %get3A_628, %get3A_632 : vector<16xf32>
        %add3A_634 = arith.addf %add3A_614, %mul3A_633 : vector<16xf32>
        %get3A_635 = arith.index_cast %rem3A_28 : i32 to index
        %get3A_636 = arith.index_cast %add3A_566 : i32 to index
        %get3A_637 = arith.constant 48 : index
        %get3A_638 = tpu.vector_load %arg9[%get3A_635, %get3A_636, %get3A_637] {strides = array<i32>} : memref<2x128x128xf32, #tpu.memory_space<vmem>>, vector<16xf32>,
        %get3A_639 = arith.index_cast %rem3A_28 : i32 to index
        %get3A_640 = arith.index_cast %add3A_566 : i32 to index
        %get3A_641 = arith.constant 48 : index
        %get3A_642 = tpu.vector_load %arg10[%get3A_639, %get3A_640, %get3A_641] {strides = array<i32>} : memref<2x128x128xf32, #tpu.memory_space<vmem>>, vector<16xf32>,
        %mul3A_643 = arith.mulf %get3A_638, %get3A_642 : vector<16xf32>
        %add3A_644 = arith.addf %add3A_624, %mul3A_643 : vector<16xf32>
        %get3A_645 = arith.index_cast %rem3A_28 : i32 to index
        %get3A_646 = arith.index_cast %add3A_564 : i32 to index
        %get3A_647 = arith.constant 64 : index
        %get3A_648 = tpu.vector_load %arg9[%get3A_645, %get3A_646, %get3A_647] {strides = array<i32>} : memref<2x128x128xf32, #tpu.memory_space<vmem>>, vector<16xf32>,
        %get3A_649 = arith.index_cast %rem3A_28 : i32 to index
        %get3A_650 = arith.index_cast %add3A_564 : i32 to index
        %get3A_651 = arith.constant 64 : index
        %get3A_652 = tpu.vector_load %arg10[%get3A_649, %get3A_650, %get3A_651] {strides = array<i32>} : memref<2x128x128xf32, #tpu.memory_space<vmem>>, vector<16xf32>,
        %mul3A_653 = arith.mulf %get3A_648, %get3A_652 : vector<16xf32>
        %add3A_654 = arith.addf %add3A_634, %mul3A_653 : vector<16xf32>
        %get3A_655 = arith.index_cast %rem3A_28 : i32 to index
        %get3A_656 = arith.index_cast %add3A_566 : i32 to index
        %get3A_657 = arith.constant 64 : index
        %get3A_658 = tpu.vector_load %arg9[%get3A_655, %get3A_656, %get3A_657] {strides = array<i32>} : memref<2x128x128xf32, #tpu.memory_space<vmem>>, vector<16xf32>,
        %get3A_659 = arith.index_cast %rem3A_28 : i32 to index
        %get3A_660 = arith.index_cast %add3A_566 : i32 to index
        %get3A_661 = arith.constant 64 : index
        %get3A_662 = tpu.vector_load %arg10[%get3A_659, %get3A_660, %get3A_661] {strides = array<i32>} : memref<2x128x128xf32, #tpu.memory_space<vmem>>, vector<16xf32>,
        %mul3A_663 = arith.mulf %get3A_658, %get3A_662 : vector<16xf32>
        %add3A_664 = arith.addf %add3A_644, %mul3A_663 : vector<16xf32>
        %get3A_665 = arith.index_cast %rem3A_28 : i32 to index
        %get3A_666 = arith.index_cast %add3A_564 : i32 to index
        %get3A_667 = arith.constant 80 : index
        %get3A_668 = tpu.vector_load %arg9[%get3A_665, %get3A_666, %get3A_667] {strides = array<i32>} : memref<2x128x128xf32, #tpu.memory_space<vmem>>, vector<16xf32>,
        %get3A_669 = arith.index_cast %rem3A_28 : i32 to index
        %get3A_670 = arith.index_cast %add3A_564 : i32 to index
        %get3A_671 = arith.constant 80 : index
        %get3A_672 = tpu.vector_load %arg10[%get3A_669, %get3A_670, %get3A_671] {strides = array<i32>} : memref<2x128x128xf32, #tpu.memory_space<vmem>>, vector<16xf32>,
        %mul3A_673 = arith.mulf %get3A_668, %get3A_672 : vector<16xf32>
        %add3A_674 = arith.addf %add3A_654, %mul3A_673 : vector<16xf32>
        %get3A_675 = arith.index_cast %rem3A_28 : i32 to index
        %get3A_676 = arith.index_cast %add3A_566 : i32 to index
        %get3A_677 = arith.constant 80 : index
        %get3A_678 = tpu.vector_load %arg9[%get3A_675, %get3A_676, %get3A_677] {strides = array<i32>} : memref<2x128x128xf32, #tpu.memory_space<vmem>>, vector<16xf32>,
        %get3A_679 = arith.index_cast %rem3A_28 : i32 to index
        %get3A_680 = arith.index_cast %add3A_566 : i32 to index
        %get3A_681 = arith.constant 80 : index
        %get3A_682 = tpu.vector_load %arg10[%get3A_679, %get3A_680, %get3A_681] {strides = array<i32>} : memref<2x128x128xf32, #tpu.memory_space<vmem>>, vector<16xf32>,
        %mul3A_683 = arith.mulf %get3A_678, %get3A_682 : vector<16xf32>
        %add3A_684 = arith.addf %add3A_664, %mul3A_683 : vector<16xf32>
        %get3A_685 = arith.index_cast %rem3A_28 : i32 to index
        %get3A_686 = arith.index_cast %add3A_564 : i32 to index
        %get3A_687 = arith.constant 96 : index
        %get3A_688 = tpu.vector_load %arg9[%get3A_685, %get3A_686, %get3A_687] {strides = array<i32>} : memref<2x128x128xf32, #tpu.memory_space<vmem>>, vector<16xf32>,
        %get3A_689 = arith.index_cast %rem3A_28 : i32 to index
        %get3A_690 = arith.index_cast %add3A_564 : i32 to index
        %get3A_691 = arith.constant 96 : index
        %get3A_692 = tpu.vector_load %arg10[%get3A_689, %get3A_690, %get3A_691] {strides = array<i32>} : memref<2x128x128xf32, #tpu.memory_space<vmem>>, vector<16xf32>,
        %mul3A_693 = arith.mulf %get3A_688, %get3A_692 : vector<16xf32>
        %add3A_694 = arith.addf %add3A_674, %mul3A_693 : vector<16xf32>
        %get3A_695 = arith.index_cast %rem3A_28 : i32 to index
        %get3A_696 = arith.index_cast %add3A_566 : i32 to index
        %get3A_697 = arith.constant 96 : index
        %get3A_698 = tpu.vector_load %arg9[%get3A_695, %get3A_696, %get3A_697] {strides = array<i32>} : memref<2x128x128xf32, #tpu.memory_space<vmem>>, vector<16xf32>,
        %get3A_699 = arith.index_cast %rem3A_28 : i32 to index
        %get3A_700 = arith.index_cast %add3A_566 : i32 to index
        %get3A_701 = arith.constant 96 : index
        %get3A_702 = tpu.vector_load %arg10[%get3A_699, %get3A_700, %get3A_701] {strides = array<i32>} : memref<2x128x128xf32, #tpu.memory_space<vmem>>, vector<16xf32>,
        %mul3A_703 = arith.mulf %get3A_698, %get3A_702 : vector<16xf32>
        %add3A_704 = arith.addf %add3A_684, %mul3A_703 : vector<16xf32>
        %get3A_705 = arith.index_cast %rem3A_28 : i32 to index
        %get3A_706 = arith.index_cast %add3A_564 : i32 to index
        %get3A_707 = arith.constant 112 : index
        %get3A_708 = tpu.vector_load %arg9[%get3A_705, %get3A_706, %get3A_707] {strides = array<i32>} : memref<2x128x128xf32, #tpu.memory_space<vmem>>, vector<16xf32>,
        %get3A_709 = arith.index_cast %rem3A_28 : i32 to index
        %get3A_710 = arith.index_cast %add3A_564 : i32 to index
        %get3A_711 = arith.constant 112 : index
        %get3A_712 = tpu.vector_load %arg10[%get3A_709, %get3A_710, %get3A_711] {strides = array<i32>} : memref<2x128x128xf32, #tpu.memory_space<vmem>>, vector<16xf32>,
        %mul3A_713 = arith.mulf %get3A_708, %get3A_712 : vector<16xf32>
        %add3A_714 = arith.addf %add3A_694, %mul3A_713 : vector<16xf32>
        %get3A_715 = arith.index_cast %rem3A_28 : i32 to index
        %get3A_716 = arith.index_cast %add3A_566 : i32 to index
        %get3A_717 = arith.constant 112 : index
        %get3A_718 = tpu.vector_load %arg9[%get3A_715, %get3A_716, %get3A_717] {strides = array<i32>} : memref<2x128x128xf32, #tpu.memory_space<vmem>>, vector<16xf32>,
        %get3A_719 = arith.index_cast %rem3A_28 : i32 to index
        %get3A_720 = arith.index_cast %add3A_566 : i32 to index
        %get3A_721 = arith.constant 112 : index
        %get3A_722 = tpu.vector_load %arg10[%get3A_719, %get3A_720, %get3A_721] {strides = array<i32>} : memref<2x128x128xf32, #tpu.memory_space<vmem>>, vector<16xf32>,
        %mul3A_723 = arith.mulf %get3A_718, %get3A_722 : vector<16xf32>
        %add3A_724 = arith.addf %add3A_704, %mul3A_723 : vector<16xf32>
        %swap3A_725 = arith.constant 96 : index
        %swap3A_726 = tpu.vector_load %arg11[%swap3A_725] {strides = array<i32>} : memref<256xf32, #tpu.memory_space<vmem>>, vector<16xf32>,
        tpu.vector_store %arg11[%swap3A_725], %add3A_714 {strides = array<i32>} : memref<256xf32, #tpu.memory_space<vmem>>, vector<16xf32>,
        %swap3A_727 = arith.constant 112 : index
        %swap3A_728 = tpu.vector_load %arg11[%swap3A_727] {strides = array<i32>} : memref<256xf32, #tpu.memory_space<vmem>>, vector<16xf32>,
        tpu.vector_store %arg11[%swap3A_727], %add3A_724 {strides = array<i32>} : memref<256xf32, #tpu.memory_space<vmem>>, vector<16xf32>,
        %mul3A_729 = arith.constant 16 : i32
        %mul3A_730 = arith.muli %scan3A_58, %mul3A_729 : i32
        %add3A_731 = arith.constant 8 : i32
        %add3A_732 = arith.addi %mul3A_730, %add3A_731 : i32
        %add3A_733 = arith.constant 1 : i32
        %add3A_734 = arith.addi %add3A_732, %add3A_733 : i32
        %get3A_735 = arith.index_cast %rem3A_28 : i32 to index
        %get3A_736 = arith.index_cast %add3A_732 : i32 to index
        %get3A_737 = arith.constant 0 : index
        %get3A_738 = tpu.vector_load %arg9[%get3A_735, %get3A_736, %get3A_737] {strides = array<i32>} : memref<2x128x128xf32, #tpu.memory_space<vmem>>, vector<16xf32>,
        %get3A_739 = arith.index_cast %rem3A_28 : i32 to index
        %get3A_740 = arith.index_cast %add3A_732 : i32 to index
        %get3A_741 = arith.constant 0 : index
        %get3A_742 = tpu.vector_load %arg10[%get3A_739, %get3A_740, %get3A_741] {strides = array<i32>} : memref<2x128x128xf32, #tpu.memory_space<vmem>>, vector<16xf32>,
        %mul3A_743 = arith.mulf %get3A_738, %get3A_742 : vector<16xf32>
        %get3A_744 = arith.index_cast %rem3A_28 : i32 to index
        %get3A_745 = arith.index_cast %add3A_734 : i32 to index
        %get3A_746 = arith.constant 0 : index
        %get3A_747 = tpu.vector_load %arg9[%get3A_744, %get3A_745, %get3A_746] {strides = array<i32>} : memref<2x128x128xf32, #tpu.memory_space<vmem>>, vector<16xf32>,
        %get3A_748 = arith.index_cast %rem3A_28 : i32 to index
        %get3A_749 = arith.index_cast %add3A_734 : i32 to index
        %get3A_750 = arith.constant 0 : index
        %get3A_751 = tpu.vector_load %arg10[%get3A_748, %get3A_749, %get3A_750] {strides = array<i32>} : memref<2x128x128xf32, #tpu.memory_space<vmem>>, vector<16xf32>,
        %mul3A_752 = arith.mulf %get3A_747, %get3A_751 : vector<16xf32>
        %get3A_753 = arith.index_cast %rem3A_28 : i32 to index
        %get3A_754 = arith.index_cast %add3A_732 : i32 to index
        %get3A_755 = arith.constant 16 : index
        %get3A_756 = tpu.vector_load %arg9[%get3A_753, %get3A_754, %get3A_755] {strides = array<i32>} : memref<2x128x128xf32, #tpu.memory_space<vmem>>, vector<16xf32>,
        %get3A_757 = arith.index_cast %rem3A_28 : i32 to index
        %get3A_758 = arith.index_cast %add3A_732 : i32 to index
        %get3A_759 = arith.constant 16 : index
        %get3A_760 = tpu.vector_load %arg10[%get3A_757, %get3A_758, %get3A_759] {strides = array<i32>} : memref<2x128x128xf32, #tpu.memory_space<vmem>>, vector<16xf32>,
        %mul3A_761 = arith.mulf %get3A_756, %get3A_760 : vector<16xf32>
        %add3A_762 = arith.addf %mul3A_743, %mul3A_761 : vector<16xf32>
        %get3A_763 = arith.index_cast %rem3A_28 : i32 to index
        %get3A_764 = arith.index_cast %add3A_734 : i32 to index
        %get3A_765 = arith.constant 16 : index
        %get3A_766 = tpu.vector_load %arg9[%get3A_763, %get3A_764, %get3A_765] {strides = array<i32>} : memref<2x128x128xf32, #tpu.memory_space<vmem>>, vector<16xf32>,
        %get3A_767 = arith.index_cast %rem3A_28 : i32 to index
        %get3A_768 = arith.index_cast %add3A_734 : i32 to index
        %get3A_769 = arith.constant 16 : index
        %get3A_770 = tpu.vector_load %arg10[%get3A_767, %get3A_768, %get3A_769] {strides = array<i32>} : memref<2x128x128xf32, #tpu.memory_space<vmem>>, vector<16xf32>,
        %mul3A_771 = arith.mulf %get3A_766, %get3A_770 : vector<16xf32>
        %add3A_772 = arith.addf %mul3A_752, %mul3A_771 : vector<16xf32>
        %get3A_773 = arith.index_cast %rem3A_28 : i32 to index
        %get3A_774 = arith.index_cast %add3A_732 : i32 to index
        %get3A_775 = arith.constant 32 : index
        %get3A_776 = tpu.vector_load %arg9[%get3A_773, %get3A_774, %get3A_775] {strides = array<i32>} : memref<2x128x128xf32, #tpu.memory_space<vmem>>, vector<16xf32>,
        %get3A_777 = arith.index_cast %rem3A_28 : i32 to index
        %get3A_778 = arith.index_cast %add3A_732 : i32 to index
        %get3A_779 = arith.constant 32 : index
        %get3A_780 = tpu.vector_load %arg10[%get3A_777, %get3A_778, %get3A_779] {strides = array<i32>} : memref<2x128x128xf32, #tpu.memory_space<vmem>>, vector<16xf32>,
        %mul3A_781 = arith.mulf %get3A_776, %get3A_780 : vector<16xf32>
        %add3A_782 = arith.addf %add3A_762, %mul3A_781 : vector<16xf32>
        %get3A_783 = arith.index_cast %rem3A_28 : i32 to index
        %get3A_784 = arith.index_cast %add3A_734 : i32 to index
        %get3A_785 = arith.constant 32 : index
        %get3A_786 = tpu.vector_load %arg9[%get3A_783, %get3A_784, %get3A_785] {strides = array<i32>} : memref<2x128x128xf32, #tpu.memory_space<vmem>>, vector<16xf32>,
        %get3A_787 = arith.index_cast %rem3A_28 : i32 to index
        %get3A_788 = arith.index_cast %add3A_734 : i32 to index
        %get3A_789 = arith.constant 32 : index
        %get3A_790 = tpu.vector_load %arg10[%get3A_787, %get3A_788, %get3A_789] {strides = array<i32>} : memref<2x128x128xf32, #tpu.memory_space<vmem>>, vector<16xf32>,
        %mul3A_791 = arith.mulf %get3A_786, %get3A_790 : vector<16xf32>
        %add3A_792 = arith.addf %add3A_772, %mul3A_791 : vector<16xf32>
        %get3A_793 = arith.index_cast %rem3A_28 : i32 to index
        %get3A_794 = arith.index_cast %add3A_732 : i32 to index
        %get3A_795 = arith.constant 48 : index
        %get3A_796 = tpu.vector_load %arg9[%get3A_793, %get3A_794, %get3A_795] {strides = array<i32>} : memref<2x128x128xf32, #tpu.memory_space<vmem>>, vector<16xf32>,
        %get3A_797 = arith.index_cast %rem3A_28 : i32 to index
        %get3A_798 = arith.index_cast %add3A_732 : i32 to index
        %get3A_799 = arith.constant 48 : index
        %get3A_800 = tpu.vector_load %arg10[%get3A_797, %get3A_798, %get3A_799] {strides = array<i32>} : memref<2x128x128xf32, #tpu.memory_space<vmem>>, vector<16xf32>,
        %mul3A_801 = arith.mulf %get3A_796, %get3A_800 : vector<16xf32>
        %add3A_802 = arith.addf %add3A_782, %mul3A_801 : vector<16xf32>
        %get3A_803 = arith.index_cast %rem3A_28 : i32 to index
        %get3A_804 = arith.index_cast %add3A_734 : i32 to index
        %get3A_805 = arith.constant 48 : index
        %get3A_806 = tpu.vector_load %arg9[%get3A_803, %get3A_804, %get3A_805] {strides = array<i32>} : memref<2x128x128xf32, #tpu.memory_space<vmem>>, vector<16xf32>,
        %get3A_807 = arith.index_cast %rem3A_28 : i32 to index
        %get3A_808 = arith.index_cast %add3A_734 : i32 to index
        %get3A_809 = arith.constant 48 : index
        %get3A_810 = tpu.vector_load %arg10[%get3A_807, %get3A_808, %get3A_809] {strides = array<i32>} : memref<2x128x128xf32, #tpu.memory_space<vmem>>, vector<16xf32>,
        %mul3A_811 = arith.mulf %get3A_806, %get3A_810 : vector<16xf32>
        %add3A_812 = arith.addf %add3A_792, %mul3A_811 : vector<16xf32>
        %get3A_813 = arith.index_cast %rem3A_28 : i32 to index
        %get3A_814 = arith.index_cast %add3A_732 : i32 to index
        %get3A_815 = arith.constant 64 : index
        %get3A_816 = tpu.vector_load %arg9[%get3A_813, %get3A_814, %get3A_815] {strides = array<i32>} : memref<2x128x128xf32, #tpu.memory_space<vmem>>, vector<16xf32>,
        %get3A_817 = arith.index_cast %rem3A_28 : i32 to index
        %get3A_818 = arith.index_cast %add3A_732 : i32 to index
        %get3A_819 = arith.constant 64 : index
        %get3A_820 = tpu.vector_load %arg10[%get3A_817, %get3A_818, %get3A_819] {strides = array<i32>} : memref<2x128x128xf32, #tpu.memory_space<vmem>>, vector<16xf32>,
        %mul3A_821 = arith.mulf %get3A_816, %get3A_820 : vector<16xf32>
        %add3A_822 = arith.addf %add3A_802, %mul3A_821 : vector<16xf32>
        %get3A_823 = arith.index_cast %rem3A_28 : i32 to index
        %get3A_824 = arith.index_cast %add3A_734 : i32 to index
        %get3A_825 = arith.constant 64 : index
        %get3A_826 = tpu.vector_load %arg9[%get3A_823, %get3A_824, %get3A_825] {strides = array<i32>} : memref<2x128x128xf32, #tpu.memory_space<vmem>>, vector<16xf32>,
        %get3A_827 = arith.index_cast %rem3A_28 : i32 to index
        %get3A_828 = arith.index_cast %add3A_734 : i32 to index
        %get3A_829 = arith.constant 64 : index
        %get3A_830 = tpu.vector_load %arg10[%get3A_827, %get3A_828, %get3A_829] {strides = array<i32>} : memref<2x128x128xf32, #tpu.memory_space<vmem>>, vector<16xf32>,
        %mul3A_831 = arith.mulf %get3A_826, %get3A_830 : vector<16xf32>
        %add3A_832 = arith.addf %add3A_812, %mul3A_831 : vector<16xf32>
        %get3A_833 = arith.index_cast %rem3A_28 : i32 to index
        %get3A_834 = arith.index_cast %add3A_732 : i32 to index
        %get3A_835 = arith.constant 80 : index
        %get3A_836 = tpu.vector_load %arg9[%get3A_833, %get3A_834, %get3A_835] {strides = array<i32>} : memref<2x128x128xf32, #tpu.memory_space<vmem>>, vector<16xf32>,
        %get3A_837 = arith.index_cast %rem3A_28 : i32 to index
        %get3A_838 = arith.index_cast %add3A_732 : i32 to index
        %get3A_839 = arith.constant 80 : index
        %get3A_840 = tpu.vector_load %arg10[%get3A_837, %get3A_838, %get3A_839] {strides = array<i32>} : memref<2x128x128xf32, #tpu.memory_space<vmem>>, vector<16xf32>,
        %mul3A_841 = arith.mulf %get3A_836, %get3A_840 : vector<16xf32>
        %add3A_842 = arith.addf %add3A_822, %mul3A_841 : vector<16xf32>
        %get3A_843 = arith.index_cast %rem3A_28 : i32 to index
        %get3A_844 = arith.index_cast %add3A_734 : i32 to index
        %get3A_845 = arith.constant 80 : index
        %get3A_846 = tpu.vector_load %arg9[%get3A_843, %get3A_844, %get3A_845] {strides = array<i32>} : memref<2x128x128xf32, #tpu.memory_space<vmem>>, vector<16xf32>,
        %get3A_847 = arith.index_cast %rem3A_28 : i32 to index
        %get3A_848 = arith.index_cast %add3A_734 : i32 to index
        %get3A_849 = arith.constant 80 : index
        %get3A_850 = tpu.vector_load %arg10[%get3A_847, %get3A_848, %get3A_849] {strides = array<i32>} : memref<2x128x128xf32, #tpu.memory_space<vmem>>, vector<16xf32>,
        %mul3A_851 = arith.mulf %get3A_846, %get3A_850 : vector<16xf32>
        %add3A_852 = arith.addf %add3A_832, %mul3A_851 : vector<16xf32>
        %get3A_853 = arith.index_cast %rem3A_28 : i32 to index
        %get3A_854 = arith.index_cast %add3A_732 : i32 to index
        %get3A_855 = arith.constant 96 : index
        %get3A_856 = tpu.vector_load %arg9[%get3A_853, %get3A_854, %get3A_855] {strides = array<i32>} : memref<2x128x128xf32, #tpu.memory_space<vmem>>, vector<16xf32>,
        %get3A_857 = arith.index_cast %rem3A_28 : i32 to index
        %get3A_858 = arith.index_cast %add3A_732 : i32 to index
        %get3A_859 = arith.constant 96 : index
        %get3A_860 = tpu.vector_load %arg10[%get3A_857, %get3A_858, %get3A_859] {strides = array<i32>} : memref<2x128x128xf32, #tpu.memory_space<vmem>>, vector<16xf32>,
        %mul3A_861 = arith.mulf %get3A_856, %get3A_860 : vector<16xf32>
        %add3A_862 = arith.addf %add3A_842, %mul3A_861 : vector<16xf32>
        %get3A_863 = arith.index_cast %rem3A_28 : i32 to index
        %get3A_864 = arith.index_cast %add3A_734 : i32 to index
        %get3A_865 = arith.constant 96 : index
        %get3A_866 = tpu.vector_load %arg9[%get3A_863, %get3A_864, %get3A_865] {strides = array<i32>} : memref<2x128x128xf32, #tpu.memory_space<vmem>>, vector<16xf32>,
        %get3A_867 = arith.index_cast %rem3A_28 : i32 to index
        %get3A_868 = arith.index_cast %add3A_734 : i32 to index
        %get3A_869 = arith.constant 96 : index
        %get3A_870 = tpu.vector_load %arg10[%get3A_867, %get3A_868, %get3A_869] {strides = array<i32>} : memref<2x128x128xf32, #tpu.memory_space<vmem>>, vector<16xf32>,
        %mul3A_871 = arith.mulf %get3A_866, %get3A_870 : vector<16xf32>
        %add3A_872 = arith.addf %add3A_852, %mul3A_871 : vector<16xf32>
        %get3A_873 = arith.index_cast %rem3A_28 : i32 to index
        %get3A_874 = arith.index_cast %add3A_732 : i32 to index
        %get3A_875 = arith.constant 112 : index
        %get3A_876 = tpu.vector_load %arg9[%get3A_873, %get3A_874, %get3A_875] {strides = array<i32>} : memref<2x128x128xf32, #tpu.memory_space<vmem>>, vector<16xf32>,
        %get3A_877 = arith.index_cast %rem3A_28 : i32 to index
        %get3A_878 = arith.index_cast %add3A_732 : i32 to index
        %get3A_879 = arith.constant 112 : index
        %get3A_880 = tpu.vector_load %arg10[%get3A_877, %get3A_878, %get3A_879] {strides = array<i32>} : memref<2x128x128xf32, #tpu.memory_space<vmem>>, vector<16xf32>,
        %mul3A_881 = arith.mulf %get3A_876, %get3A_880 : vector<16xf32>
        %add3A_882 = arith.addf %add3A_862, %mul3A_881 : vector<16xf32>
        %get3A_883 = arith.index_cast %rem3A_28 : i32 to index
        %get3A_884 = arith.index_cast %add3A_734 : i32 to index
        %get3A_885 = arith.constant 112 : index
        %get3A_886 = tpu.vector_load %arg9[%get3A_883, %get3A_884, %get3A_885] {strides = array<i32>} : memref<2x128x128xf32, #tpu.memory_space<vmem>>, vector<16xf32>,
        %get3A_887 = arith.index_cast %rem3A_28 : i32 to index
        %get3A_888 = arith.index_cast %add3A_734 : i32 to index
        %get3A_889 = arith.constant 112 : index
        %get3A_890 = tpu.vector_load %arg10[%get3A_887, %get3A_888, %get3A_889] {strides = array<i32>} : memref<2x128x128xf32, #tpu.memory_space<vmem>>, vector<16xf32>,
        %mul3A_891 = arith.mulf %get3A_886, %get3A_890 : vector<16xf32>
        %add3A_892 = arith.addf %add3A_872, %mul3A_891 : vector<16xf32>
        %swap3A_893 = arith.constant 128 : index
        %swap3A_894 = tpu.vector_load %arg11[%swap3A_893] {strides = array<i32>} : memref<256xf32, #tpu.memory_space<vmem>>, vector<16xf32>,
        tpu.vector_store %arg11[%swap3A_893], %add3A_882 {strides = array<i32>} : memref<256xf32, #tpu.memory_space<vmem>>, vector<16xf32>,
        %swap3A_895 = arith.constant 144 : index
        %swap3A_896 = tpu.vector_load %arg11[%swap3A_895] {strides = array<i32>} : memref<256xf32, #tpu.memory_space<vmem>>, vector<16xf32>,
        tpu.vector_store %arg11[%swap3A_895], %add3A_892 {strides = array<i32>} : memref<256xf32, #tpu.memory_space<vmem>>, vector<16xf32>,
        %mul3A_897 = arith.constant 16 : i32
        %mul3A_898 = arith.muli %scan3A_58, %mul3A_897 : i32
        %add3A_899 = arith.constant 10 : i32
        %add3A_900 = arith.addi %mul3A_898, %add3A_899 : i32
        %add3A_901 = arith.constant 1 : i32
        %add3A_902 = arith.addi %add3A_900, %add3A_901 : i32
        %get3A_903 = arith.index_cast %rem3A_28 : i32 to index
        %get3A_904 = arith.index_cast %add3A_900 : i32 to index
        %get3A_905 = arith.constant 0 : index
        %get3A_906 = tpu.vector_load %arg9[%get3A_903, %get3A_904, %get3A_905] {strides = array<i32>} : memref<2x128x128xf32, #tpu.memory_space<vmem>>, vector<16xf32>,
        %get3A_907 = arith.index_cast %rem3A_28 : i32 to index
        %get3A_908 = arith.index_cast %add3A_900 : i32 to index
        %get3A_909 = arith.constant 0 : index
        %get3A_910 = tpu.vector_load %arg10[%get3A_907, %get3A_908, %get3A_909] {strides = array<i32>} : memref<2x128x128xf32, #tpu.memory_space<vmem>>, vector<16xf32>,
        %mul3A_911 = arith.mulf %get3A_906, %get3A_910 : vector<16xf32>
        %get3A_912 = arith.index_cast %rem3A_28 : i32 to index
        %get3A_913 = arith.index_cast %add3A_902 : i32 to index
        %get3A_914 = arith.constant 0 : index
        %get3A_915 = tpu.vector_load %arg9[%get3A_912, %get3A_913, %get3A_914] {strides = array<i32>} : memref<2x128x128xf32, #tpu.memory_space<vmem>>, vector<16xf32>,
        %get3A_916 = arith.index_cast %rem3A_28 : i32 to index
        %get3A_917 = arith.index_cast %add3A_902 : i32 to index
        %get3A_918 = arith.constant 0 : index
        %get3A_919 = tpu.vector_load %arg10[%get3A_916, %get3A_917, %get3A_918] {strides = array<i32>} : memref<2x128x128xf32, #tpu.memory_space<vmem>>, vector<16xf32>,
        %mul3A_920 = arith.mulf %get3A_915, %get3A_919 : vector<16xf32>
        %get3A_921 = arith.index_cast %rem3A_28 : i32 to index
        %get3A_922 = arith.index_cast %add3A_900 : i32 to index
        %get3A_923 = arith.constant 16 : index
        %get3A_924 = tpu.vector_load %arg9[%get3A_921, %get3A_922, %get3A_923] {strides = array<i32>} : memref<2x128x128xf32, #tpu.memory_space<vmem>>, vector<16xf32>,
        %get3A_925 = arith.index_cast %rem3A_28 : i32 to index
        %get3A_926 = arith.index_cast %add3A_900 : i32 to index
        %get3A_927 = arith.constant 16 : index
        %get3A_928 = tpu.vector_load %arg10[%get3A_925, %get3A_926, %get3A_927] {strides = array<i32>} : memref<2x128x128xf32, #tpu.memory_space<vmem>>, vector<16xf32>,
        %mul3A_929 = arith.mulf %get3A_924, %get3A_928 : vector<16xf32>
        %add3A_930 = arith.addf %mul3A_911, %mul3A_929 : vector<16xf32>
        %get3A_931 = arith.index_cast %rem3A_28 : i32 to index
        %get3A_932 = arith.index_cast %add3A_902 : i32 to index
        %get3A_933 = arith.constant 16 : index
        %get3A_934 = tpu.vector_load %arg9[%get3A_931, %get3A_932, %get3A_933] {strides = array<i32>} : memref<2x128x128xf32, #tpu.memory_space<vmem>>, vector<16xf32>,
        %get3A_935 = arith.index_cast %rem3A_28 : i32 to index
        %get3A_936 = arith.index_cast %add3A_902 : i32 to index
        %get3A_937 = arith.constant 16 : index
        %get3A_938 = tpu.vector_load %arg10[%get3A_935, %get3A_936, %get3A_937] {strides = array<i32>} : memref<2x128x128xf32, #tpu.memory_space<vmem>>, vector<16xf32>,
        %mul3A_939 = arith.mulf %get3A_934, %get3A_938 : vector<16xf32>
        %add3A_940 = arith.addf %mul3A_920, %mul3A_939 : vector<16xf32>
        %get3A_941 = arith.index_cast %rem3A_28 : i32 to index
        %get3A_942 = arith.index_cast %add3A_900 : i32 to index
        %get3A_943 = arith.constant 32 : index
        %get3A_944 = tpu.vector_load %arg9[%get3A_941, %get3A_942, %get3A_943] {strides = array<i32>} : memref<2x128x128xf32, #tpu.memory_space<vmem>>, vector<16xf32>,
        %get3A_945 = arith.index_cast %rem3A_28 : i32 to index
        %get3A_946 = arith.index_cast %add3A_900 : i32 to index
        %get3A_947 = arith.constant 32 : index
        %get3A_948 = tpu.vector_load %arg10[%get3A_945, %get3A_946, %get3A_947] {strides = array<i32>} : memref<2x128x128xf32, #tpu.memory_space<vmem>>, vector<16xf32>,
        %mul3A_949 = arith.mulf %get3A_944, %get3A_948 : vector<16xf32>
        %add3A_950 = arith.addf %add3A_930, %mul3A_949 : vector<16xf32>
        %get3A_951 = arith.index_cast %rem3A_28 : i32 to index
        %get3A_952 = arith.index_cast %add3A_902 : i32 to index
        %get3A_953 = arith.constant 32 : index
        %get3A_954 = tpu.vector_load %arg9[%get3A_951, %get3A_952, %get3A_953] {strides = array<i32>} : memref<2x128x128xf32, #tpu.memory_space<vmem>>, vector<16xf32>,
        %get3A_955 = arith.index_cast %rem3A_28 : i32 to index
        %get3A_956 = arith.index_cast %add3A_902 : i32 to index
        %get3A_957 = arith.constant 32 : index
        %get3A_958 = tpu.vector_load %arg10[%get3A_955, %get3A_956, %get3A_957] {strides = array<i32>} : memref<2x128x128xf32, #tpu.memory_space<vmem>>, vector<16xf32>,
        %mul3A_959 = arith.mulf %get3A_954, %get3A_958 : vector<16xf32>
        %add3A_960 = arith.addf %add3A_940, %mul3A_959 : vector<16xf32>
        %get3A_961 = arith.index_cast %rem3A_28 : i32 to index
        %get3A_962 = arith.index_cast %add3A_900 : i32 to index
        %get3A_963 = arith.constant 48 : index
        %get3A_964 = tpu.vector_load %arg9[%get3A_961, %get3A_962, %get3A_963] {strides = array<i32>} : memref<2x128x128xf32, #tpu.memory_space<vmem>>, vector<16xf32>,
        %get3A_965 = arith.index_cast %rem3A_28 : i32 to index
        %get3A_966 = arith.index_cast %add3A_900 : i32 to index
        %get3A_967 = arith.constant 48 : index
        %get3A_968 = tpu.vector_load %arg10[%get3A_965, %get3A_966, %get3A_967] {strides = array<i32>} : memref<2x128x128xf32, #tpu.memory_space<vmem>>, vector<16xf32>,
        %mul3A_969 = arith.mulf %get3A_964, %get3A_968 : vector<16xf32>
        %add3A_970 = arith.addf %add3A_950, %mul3A_969 : vector<16xf32>
        %get3A_971 = arith.index_cast %rem3A_28 : i32 to index
        %get3A_972 = arith.index_cast %add3A_902 : i32 to index
        %get3A_973 = arith.constant 48 : index
        %get3A_974 = tpu.vector_load %arg9[%get3A_971, %get3A_972, %get3A_973] {strides = array<i32>} : memref<2x128x128xf32, #tpu.memory_space<vmem>>, vector<16xf32>,
        %get3A_975 = arith.index_cast %rem3A_28 : i32 to index
        %get3A_976 = arith.index_cast %add3A_902 : i32 to index
        %get3A_977 = arith.constant 48 : index
        %get3A_978 = tpu.vector_load %arg10[%get3A_975, %get3A_976, %get3A_977] {strides = array<i32>} : memref<2x128x128xf32, #tpu.memory_space<vmem>>, vector<16xf32>,
        %mul3A_979 = arith.mulf %get3A_974, %get3A_978 : vector<16xf32>
        %add3A_980 = arith.addf %add3A_960, %mul3A_979 : vector<16xf32>
        %get3A_981 = arith.index_cast %rem3A_28 : i32 to index
        %get3A_982 = arith.index_cast %add3A_900 : i32 to index
        %get3A_983 = arith.constant 64 : index
        %get3A_984 = tpu.vector_load %arg9[%get3A_981, %get3A_982, %get3A_983] {strides = array<i32>} : memref<2x128x128xf32, #tpu.memory_space<vmem>>, vector<16xf32>,
        %get3A_985 = arith.index_cast %rem3A_28 : i32 to index
        %get3A_986 = arith.index_cast %add3A_900 : i32 to index
        %get3A_987 = arith.constant 64 : index
        %get3A_988 = tpu.vector_load %arg10[%get3A_985, %get3A_986, %get3A_987] {strides = array<i32>} : memref<2x128x128xf32, #tpu.memory_space<vmem>>, vector<16xf32>,
        %mul3A_989 = arith.mulf %get3A_984, %get3A_988 : vector<16xf32>
        %add3A_990 = arith.addf %add3A_970, %mul3A_989 : vector<16xf32>
        %get3A_991 = arith.index_cast %rem3A_28 : i32 to index
        %get3A_992 = arith.index_cast %add3A_902 : i32 to index
        %get3A_993 = arith.constant 64 : index
        %get3A_994 = tpu.vector_load %arg9[%get3A_991, %get3A_992, %get3A_993] {strides = array<i32>} : memref<2x128x128xf32, #tpu.memory_space<vmem>>, vector<16xf32>,
        %get3A_995 = arith.index_cast %rem3A_28 : i32 to index
        %get3A_996 = arith.index_cast %add3A_902 : i32 to index
        %get3A_997 = arith.constant 64 : index
        %get3A_998 = tpu.vector_load %arg10[%get3A_995, %get3A_996, %get3A_997] {strides = array<i32>} : memref<2x128x128xf32, #tpu.memory_space<vmem>>, vector<16xf32>,
        %mul3A_999 = arith.mulf %get3A_994, %get3A_998 : vector<16xf32>
        %add3A_1000 = arith.addf %add3A_980, %mul3A_999 : vector<16xf32>
        %get3A_1001 = arith.index_cast %rem3A_28 : i32 to index
        %get3A_1002 = arith.index_cast %add3A_900 : i32 to index
        %get3A_1003 = arith.constant 80 : index
        %get3A_1004 = tpu.vector_load %arg9[%get3A_1001, %get3A_1002, %get3A_1003] {strides = array<i32>} : memref<2x128x128xf32, #tpu.memory_space<vmem>>, vector<16xf32>,
        %get3A_1005 = arith.index_cast %rem3A_28 : i32 to index
        %get3A_1006 = arith.index_cast %add3A_900 : i32 to index
        %get3A_1007 = arith.constant 80 : index
        %get3A_1008 = tpu.vector_load %arg10[%get3A_1005, %get3A_1006, %get3A_1007] {strides = array<i32>} : memref<2x128x128xf32, #tpu.memory_space<vmem>>, vector<16xf32>,
        %mul3A_1009 = arith.mulf %get3A_1004, %get3A_1008 : vector<16xf32>
        %add3A_1010 = arith.addf %add3A_990, %mul3A_1009 : vector<16xf32>
        %get3A_1011 = arith.index_cast %rem3A_28 : i32 to index
        %get3A_1012 = arith.index_cast %add3A_902 : i32 to index
        %get3A_1013 = arith.constant 80 : index
        %get3A_1014 = tpu.vector_load %arg9[%get3A_1011, %get3A_1012, %get3A_1013] {strides = array<i32>} : memref<2x128x128xf32, #tpu.memory_space<vmem>>, vector<16xf32>,
        %get3A_1015 = arith.index_cast %rem3A_28 : i32 to index
        %get3A_1016 = arith.index_cast %add3A_902 : i32 to index
        %get3A_1017 = arith.constant 80 : index
        %get3A_1018 = tpu.vector_load %arg10[%get3A_1015, %get3A_1016, %get3A_1017] {strides = array<i32>} : memref<2x128x128xf32, #tpu.memory_space<vmem>>, vector<16xf32>,
        %mul3A_1019 = arith.mulf %get3A_1014, %get3A_1018 : vector<16xf32>
        %add3A_1020 = arith.addf %add3A_1000, %mul3A_1019 : vector<16xf32>
        %get3A_1021 = arith.index_cast %rem3A_28 : i32 to index
        %get3A_1022 = arith.index_cast %add3A_900 : i32 to index
        %get3A_1023 = arith.constant 96 : index
        %get3A_1024 = tpu.vector_load %arg9[%get3A_1021, %get3A_1022, %get3A_1023] {strides = array<i32>} : memref<2x128x128xf32, #tpu.memory_space<vmem>>, vector<16xf32>,
        %get3A_1025 = arith.index_cast %rem3A_28 : i32 to index
        %get3A_1026 = arith.index_cast %add3A_900 : i32 to index
        %get3A_1027 = arith.constant 96 : index
        %get3A_1028 = tpu.vector_load %arg10[%get3A_1025, %get3A_1026, %get3A_1027] {strides = array<i32>} : memref<2x128x128xf32, #tpu.memory_space<vmem>>, vector<16xf32>,
        %mul3A_1029 = arith.mulf %get3A_1024, %get3A_1028 : vector<16xf32>
        %add3A_1030 = arith.addf %add3A_1010, %mul3A_1029 : vector<16xf32>
        %get3A_1031 = arith.index_cast %rem3A_28 : i32 to index
        %get3A_1032 = arith.index_cast %add3A_902 : i32 to index
        %get3A_1033 = arith.constant 96 : index
        %get3A_1034 = tpu.vector_load %arg9[%get3A_1031, %get3A_1032, %get3A_1033] {strides = array<i32>} : memref<2x128x128xf32, #tpu.memory_space<vmem>>, vector<16xf32>,
        %get3A_1035 = arith.index_cast %rem3A_28 : i32 to index
        %get3A_1036 = arith.index_cast %add3A_902 : i32 to index
        %get3A_1037 = arith.constant 96 : index
        %get3A_1038 = tpu.vector_load %arg10[%get3A_1035, %get3A_1036, %get3A_1037] {strides = array<i32>} : memref<2x128x128xf32, #tpu.memory_space<vmem>>, vector<16xf32>,
        %mul3A_1039 = arith.mulf %get3A_1034, %get3A_1038 : vector<16xf32>
        %add3A_1040 = arith.addf %add3A_1020, %mul3A_1039 : vector<16xf32>
        %get3A_1041 = arith.index_cast %rem3A_28 : i32 to index
        %get3A_1042 = arith.index_cast %add3A_900 : i32 to index
        %get3A_1043 = arith.constant 112 : index
        %get3A_1044 = tpu.vector_load %arg9[%get3A_1041, %get3A_1042, %get3A_1043] {strides = array<i32>} : memref<2x128x128xf32, #tpu.memory_space<vmem>>, vector<16xf32>,
        %get3A_1045 = arith.index_cast %rem3A_28 : i32 to index
        %get3A_1046 = arith.index_cast %add3A_900 : i32 to index
        %get3A_1047 = arith.constant 112 : index
        %get3A_1048 = tpu.vector_load %arg10[%get3A_1045, %get3A_1046, %get3A_1047] {strides = array<i32>} : memref<2x128x128xf32, #tpu.memory_space<vmem>>, vector<16xf32>,
        %mul3A_1049 = arith.mulf %get3A_1044, %get3A_1048 : vector<16xf32>
        %add3A_1050 = arith.addf %add3A_1030, %mul3A_1049 : vector<16xf32>
        %get3A_1051 = arith.index_cast %rem3A_28 : i32 to index
        %get3A_1052 = arith.index_cast %add3A_902 : i32 to index
        %get3A_1053 = arith.constant 112 : index
        %get3A_1054 = tpu.vector_load %arg9[%get3A_1051, %get3A_1052, %get3A_1053] {strides = array<i32>} : memref<2x128x128xf32, #tpu.memory_space<vmem>>, vector<16xf32>,
        %get3A_1055 = arith.index_cast %rem3A_28 : i32 to index
        %get3A_1056 = arith.index_cast %add3A_902 : i32 to index
        %get3A_1057 = arith.constant 112 : index
        %get3A_1058 = tpu.vector_load %arg10[%get3A_1055, %get3A_1056, %get3A_1057] {strides = array<i32>} : memref<2x128x128xf32, #tpu.memory_space<vmem>>, vector<16xf32>,
        %mul3A_1059 = arith.mulf %get3A_1054, %get3A_1058 : vector<16xf32>
        %add3A_1060 = arith.addf %add3A_1040, %mul3A_1059 : vector<16xf32>
        %swap3A_1061 = arith.constant 160 : index
        %swap3A_1062 = tpu.vector_load %arg11[%swap3A_1061] {strides = array<i32>} : memref<256xf32, #tpu.memory_space<vmem>>, vector<16xf32>,
        tpu.vector_store %arg11[%swap3A_1061], %add3A_1050 {strides = array<i32>} : memref<256xf32, #tpu.memory_space<vmem>>, vector<16xf32>,
        %swap3A_1063 = arith.constant 176 : index
        %swap3A_1064 = tpu.vector_load %arg11[%swap3A_1063] {strides = array<i32>} : memref<256xf32, #tpu.memory_space<vmem>>, vector<16xf32>,
        tpu.vector_store %arg11[%swap3A_1063], %add3A_1060 {strides = array<i32>} : memref<256xf32, #tpu.memory_space<vmem>>, vector<16xf32>,
        %mul3A_1065 = arith.constant 16 : i32
        %mul3A_1066 = arith.muli %scan3A_58, %mul3A_1065 : i32
        %add3A_1067 = arith.constant 12 : i32
        %add3A_1068 = arith.addi %mul3A_1066, %add3A_1067 : i32
        %add3A_1069 = arith.constant 1 : i32
        %add3A_1070 = arith.addi %add3A_1068, %add3A_1069 : i32
        %get3A_1071 = arith.index_cast %rem3A_28 : i32 to index
        %get3A_1072 = arith.index_cast %add3A_1068 : i32 to index
        %get3A_1073 = arith.constant 0 : index
        %get3A_1074 = tpu.vector_load %arg9[%get3A_1071, %get3A_1072, %get3A_1073] {strides = array<i32>} : memref<2x128x128xf32, #tpu.memory_space<vmem>>, vector<16xf32>,
        %get3A_1075 = arith.index_cast %rem3A_28 : i32 to index
        %get3A_1076 = arith.index_cast %add3A_1068 : i32 to index
        %get3A_1077 = arith.constant 0 : index
        %get3A_1078 = tpu.vector_load %arg10[%get3A_1075, %get3A_1076, %get3A_1077] {strides = array<i32>} : memref<2x128x128xf32, #tpu.memory_space<vmem>>, vector<16xf32>,
        %mul3A_1079 = arith.mulf %get3A_1074, %get3A_1078 : vector<16xf32>
        %get3A_1080 = arith.index_cast %rem3A_28 : i32 to index
        %get3A_1081 = arith.index_cast %add3A_1070 : i32 to index
        %get3A_1082 = arith.constant 0 : index
        %get3A_1083 = tpu.vector_load %arg9[%get3A_1080, %get3A_1081, %get3A_1082] {strides = array<i32>} : memref<2x128x128xf32, #tpu.memory_space<vmem>>, vector<16xf32>,
        %get3A_1084 = arith.index_cast %rem3A_28 : i32 to index
        %get3A_1085 = arith.index_cast %add3A_1070 : i32 to index
        %get3A_1086 = arith.constant 0 : index
        %get3A_1087 = tpu.vector_load %arg10[%get3A_1084, %get3A_1085, %get3A_1086] {strides = array<i32>} : memref<2x128x128xf32, #tpu.memory_space<vmem>>, vector<16xf32>,
        %mul3A_1088 = arith.mulf %get3A_1083, %get3A_1087 : vector<16xf32>
        %get3A_1089 = arith.index_cast %rem3A_28 : i32 to index
        %get3A_1090 = arith.index_cast %add3A_1068 : i32 to index
        %get3A_1091 = arith.constant 16 : index
        %get3A_1092 = tpu.vector_load %arg9[%get3A_1089, %get3A_1090, %get3A_1091] {strides = array<i32>} : memref<2x128x128xf32, #tpu.memory_space<vmem>>, vector<16xf32>,
        %get3A_1093 = arith.index_cast %rem3A_28 : i32 to index
        %get3A_1094 = arith.index_cast %add3A_1068 : i32 to index
        %get3A_1095 = arith.constant 16 : index
        %get3A_1096 = tpu.vector_load %arg10[%get3A_1093, %get3A_1094, %get3A_1095] {strides = array<i32>} : memref<2x128x128xf32, #tpu.memory_space<vmem>>, vector<16xf32>,
        %mul3A_1097 = arith.mulf %get3A_1092, %get3A_1096 : vector<16xf32>
        %add3A_1098 = arith.addf %mul3A_1079, %mul3A_1097 : vector<16xf32>
        %get3A_1099 = arith.index_cast %rem3A_28 : i32 to index
        %get3A_1100 = arith.index_cast %add3A_1070 : i32 to index
        %get3A_1101 = arith.constant 16 : index
        %get3A_1102 = tpu.vector_load %arg9[%get3A_1099, %get3A_1100, %get3A_1101] {strides = array<i32>} : memref<2x128x128xf32, #tpu.memory_space<vmem>>, vector<16xf32>,
        %get3A_1103 = arith.index_cast %rem3A_28 : i32 to index
        %get3A_1104 = arith.index_cast %add3A_1070 : i32 to index
        %get3A_1105 = arith.constant 16 : index
        %get3A_1106 = tpu.vector_load %arg10[%get3A_1103, %get3A_1104, %get3A_1105] {strides = array<i32>} : memref<2x128x128xf32, #tpu.memory_space<vmem>>, vector<16xf32>,
        %mul3A_1107 = arith.mulf %get3A_1102, %get3A_1106 : vector<16xf32>
        %add3A_1108 = arith.addf %mul3A_1088, %mul3A_1107 : vector<16xf32>
        %get3A_1109 = arith.index_cast %rem3A_28 : i32 to index
        %get3A_1110 = arith.index_cast %add3A_1068 : i32 to index
        %get3A_1111 = arith.constant 32 : index
        %get3A_1112 = tpu.vector_load %arg9[%get3A_1109, %get3A_1110, %get3A_1111] {strides = array<i32>} : memref<2x128x128xf32, #tpu.memory_space<vmem>>, vector<16xf32>,
        %get3A_1113 = arith.index_cast %rem3A_28 : i32 to index
        %get3A_1114 = arith.index_cast %add3A_1068 : i32 to index
        %get3A_1115 = arith.constant 32 : index
        %get3A_1116 = tpu.vector_load %arg10[%get3A_1113, %get3A_1114, %get3A_1115] {strides = array<i32>} : memref<2x128x128xf32, #tpu.memory_space<vmem>>, vector<16xf32>,
        %mul3A_1117 = arith.mulf %get3A_1112, %get3A_1116 : vector<16xf32>
        %add3A_1118 = arith.addf %add3A_1098, %mul3A_1117 : vector<16xf32>
        %get3A_1119 = arith.index_cast %rem3A_28 : i32 to index
        %get3A_1120 = arith.index_cast %add3A_1070 : i32 to index
        %get3A_1121 = arith.constant 32 : index
        %get3A_1122 = tpu.vector_load %arg9[%get3A_1119, %get3A_1120, %get3A_1121] {strides = array<i32>} : memref<2x128x128xf32, #tpu.memory_space<vmem>>, vector<16xf32>,
        %get3A_1123 = arith.index_cast %rem3A_28 : i32 to index
        %get3A_1124 = arith.index_cast %add3A_1070 : i32 to index
        %get3A_1125 = arith.constant 32 : index
        %get3A_1126 = tpu.vector_load %arg10[%get3A_1123, %get3A_1124, %get3A_1125] {strides = array<i32>} : memref<2x128x128xf32, #tpu.memory_space<vmem>>, vector<16xf32>,
        %mul3A_1127 = arith.mulf %get3A_1122, %get3A_1126 : vector<16xf32>
        %add3A_1128 = arith.addf %add3A_1108, %mul3A_1127 : vector<16xf32>
        %get3A_1129 = arith.index_cast %rem3A_28 : i32 to index
        %get3A_1130 = arith.index_cast %add3A_1068 : i32 to index
        %get3A_1131 = arith.constant 48 : index
        %get3A_1132 = tpu.vector_load %arg9[%get3A_1129, %get3A_1130, %get3A_1131] {strides = array<i32>} : memref<2x128x128xf32, #tpu.memory_space<vmem>>, vector<16xf32>,
        %get3A_1133 = arith.index_cast %rem3A_28 : i32 to index
        %get3A_1134 = arith.index_cast %add3A_1068 : i32 to index
        %get3A_1135 = arith.constant 48 : index
        %get3A_1136 = tpu.vector_load %arg10[%get3A_1133, %get3A_1134, %get3A_1135] {strides = array<i32>} : memref<2x128x128xf32, #tpu.memory_space<vmem>>, vector<16xf32>,
        %mul3A_1137 = arith.mulf %get3A_1132, %get3A_1136 : vector<16xf32>
        %add3A_1138 = arith.addf %add3A_1118, %mul3A_1137 : vector<16xf32>
        %get3A_1139 = arith.index_cast %rem3A_28 : i32 to index
        %get3A_1140 = arith.index_cast %add3A_1070 : i32 to index
        %get3A_1141 = arith.constant 48 : index
        %get3A_1142 = tpu.vector_load %arg9[%get3A_1139, %get3A_1140, %get3A_1141] {strides = array<i32>} : memref<2x128x128xf32, #tpu.memory_space<vmem>>, vector<16xf32>,
        %get3A_1143 = arith.index_cast %rem3A_28 : i32 to index
        %get3A_1144 = arith.index_cast %add3A_1070 : i32 to index
        %get3A_1145 = arith.constant 48 : index
        %get3A_1146 = tpu.vector_load %arg10[%get3A_1143, %get3A_1144, %get3A_1145] {strides = array<i32>} : memref<2x128x128xf32, #tpu.memory_space<vmem>>, vector<16xf32>,
        %mul3A_1147 = arith.mulf %get3A_1142, %get3A_1146 : vector<16xf32>
        %add3A_1148 = arith.addf %add3A_1128, %mul3A_1147 : vector<16xf32>
        %get3A_1149 = arith.index_cast %rem3A_28 : i32 to index
        %get3A_1150 = arith.index_cast %add3A_1068 : i32 to index
        %get3A_1151 = arith.constant 64 : index
        %get3A_1152 = tpu.vector_load %arg9[%get3A_1149, %get3A_1150, %get3A_1151] {strides = array<i32>} : memref<2x128x128xf32, #tpu.memory_space<vmem>>, vector<16xf32>,
        %get3A_1153 = arith.index_cast %rem3A_28 : i32 to index
        %get3A_1154 = arith.index_cast %add3A_1068 : i32 to index
        %get3A_1155 = arith.constant 64 : index
        %get3A_1156 = tpu.vector_load %arg10[%get3A_1153, %get3A_1154, %get3A_1155] {strides = array<i32>} : memref<2x128x128xf32, #tpu.memory_space<vmem>>, vector<16xf32>,
        %mul3A_1157 = arith.mulf %get3A_1152, %get3A_1156 : vector<16xf32>
        %add3A_1158 = arith.addf %add3A_1138, %mul3A_1157 : vector<16xf32>
        %get3A_1159 = arith.index_cast %rem3A_28 : i32 to index
        %get3A_1160 = arith.index_cast %add3A_1070 : i32 to index
        %get3A_1161 = arith.constant 64 : index
        %get3A_1162 = tpu.vector_load %arg9[%get3A_1159, %get3A_1160, %get3A_1161] {strides = array<i32>} : memref<2x128x128xf32, #tpu.memory_space<vmem>>, vector<16xf32>,
        %get3A_1163 = arith.index_cast %rem3A_28 : i32 to index
        %get3A_1164 = arith.index_cast %add3A_1070 : i32 to index
        %get3A_1165 = arith.constant 64 : index
        %get3A_1166 = tpu.vector_load %arg10[%get3A_1163, %get3A_1164, %get3A_1165] {strides = array<i32>} : memref<2x128x128xf32, #tpu.memory_space<vmem>>, vector<16xf32>,
        %mul3A_1167 = arith.mulf %get3A_1162, %get3A_1166 : vector<16xf32>
        %add3A_1168 = arith.addf %add3A_1148, %mul3A_1167 : vector<16xf32>
        %get3A_1169 = arith.index_cast %rem3A_28 : i32 to index
        %get3A_1170 = arith.index_cast %add3A_1068 : i32 to index
        %get3A_1171 = arith.constant 80 : index
        %get3A_1172 = tpu.vector_load %arg9[%get3A_1169, %get3A_1170, %get3A_1171] {strides = array<i32>} : memref<2x128x128xf32, #tpu.memory_space<vmem>>, vector<16xf32>,
        %get3A_1173 = arith.index_cast %rem3A_28 : i32 to index
        %get3A_1174 = arith.index_cast %add3A_1068 : i32 to index
        %get3A_1175 = arith.constant 80 : index
        %get3A_1176 = tpu.vector_load %arg10[%get3A_1173, %get3A_1174, %get3A_1175] {strides = array<i32>} : memref<2x128x128xf32, #tpu.memory_space<vmem>>, vector<16xf32>,
        %mul3A_1177 = arith.mulf %get3A_1172, %get3A_1176 : vector<16xf32>
        %add3A_1178 = arith.addf %add3A_1158, %mul3A_1177 : vector<16xf32>
        %get3A_1179 = arith.index_cast %rem3A_28 : i32 to index
        %get3A_1180 = arith.index_cast %add3A_1070 : i32 to index
        %get3A_1181 = arith.constant 80 : index
        %get3A_1182 = tpu.vector_load %arg9[%get3A_1179, %get3A_1180, %get3A_1181] {strides = array<i32>} : memref<2x128x128xf32, #tpu.memory_space<vmem>>, vector<16xf32>,
        %get3A_1183 = arith.index_cast %rem3A_28 : i32 to index
        %get3A_1184 = arith.index_cast %add3A_1070 : i32 to index
        %get3A_1185 = arith.constant 80 : index
        %get3A_1186 = tpu.vector_load %arg10[%get3A_1183, %get3A_1184, %get3A_1185] {strides = array<i32>} : memref<2x128x128xf32, #tpu.memory_space<vmem>>, vector<16xf32>,
        %mul3A_1187 = arith.mulf %get3A_1182, %get3A_1186 : vector<16xf32>
        %add3A_1188 = arith.addf %add3A_1168, %mul3A_1187 : vector<16xf32>
        %get3A_1189 = arith.index_cast %rem3A_28 : i32 to index
        %get3A_1190 = arith.index_cast %add3A_1068 : i32 to index
        %get3A_1191 = arith.constant 96 : index
        %get3A_1192 = tpu.vector_load %arg9[%get3A_1189, %get3A_1190, %get3A_1191] {strides = array<i32>} : memref<2x128x128xf32, #tpu.memory_space<vmem>>, vector<16xf32>,
        %get3A_1193 = arith.index_cast %rem3A_28 : i32 to index
        %get3A_1194 = arith.index_cast %add3A_1068 : i32 to index
        %get3A_1195 = arith.constant 96 : index
        %get3A_1196 = tpu.vector_load %arg10[%get3A_1193, %get3A_1194, %get3A_1195] {strides = array<i32>} : memref<2x128x128xf32, #tpu.memory_space<vmem>>, vector<16xf32>,
        %mul3A_1197 = arith.mulf %get3A_1192, %get3A_1196 : vector<16xf32>
        %add3A_1198 = arith.addf %add3A_1178, %mul3A_1197 : vector<16xf32>
        %get3A_1199 = arith.index_cast %rem3A_28 : i32 to index
        %get3A_1200 = arith.index_cast %add3A_1070 : i32 to index
        %get3A_1201 = arith.constant 96 : index
        %get3A_1202 = tpu.vector_load %arg9[%get3A_1199, %get3A_1200, %get3A_1201] {strides = array<i32>} : memref<2x128x128xf32, #tpu.memory_space<vmem>>, vector<16xf32>,
        %get3A_1203 = arith.index_cast %rem3A_28 : i32 to index
        %get3A_1204 = arith.index_cast %add3A_1070 : i32 to index
        %get3A_1205 = arith.constant 96 : index
        %get3A_1206 = tpu.vector_load %arg10[%get3A_1203, %get3A_1204, %get3A_1205] {strides = array<i32>} : memref<2x128x128xf32, #tpu.memory_space<vmem>>, vector<16xf32>,
        %mul3A_1207 = arith.mulf %get3A_1202, %get3A_1206 : vector<16xf32>
        %add3A_1208 = arith.addf %add3A_1188, %mul3A_1207 : vector<16xf32>
        %get3A_1209 = arith.index_cast %rem3A_28 : i32 to index
        %get3A_1210 = arith.index_cast %add3A_1068 : i32 to index
        %get3A_1211 = arith.constant 112 : index
        %get3A_1212 = tpu.vector_load %arg9[%get3A_1209, %get3A_1210, %get3A_1211] {strides = array<i32>} : memref<2x128x128xf32, #tpu.memory_space<vmem>>, vector<16xf32>,
        %get3A_1213 = arith.index_cast %rem3A_28 : i32 to index
        %get3A_1214 = arith.index_cast %add3A_1068 : i32 to index
        %get3A_1215 = arith.constant 112 : index
        %get3A_1216 = tpu.vector_load %arg10[%get3A_1213, %get3A_1214, %get3A_1215] {strides = array<i32>} : memref<2x128x128xf32, #tpu.memory_space<vmem>>, vector<16xf32>,
        %mul3A_1217 = arith.mulf %get3A_1212, %get3A_1216 : vector<16xf32>
        %add3A_1218 = arith.addf %add3A_1198, %mul3A_1217 : vector<16xf32>
        %get3A_1219 = arith.index_cast %rem3A_28 : i32 to index
        %get3A_1220 = arith.index_cast %add3A_1070 : i32 to index
        %get3A_1221 = arith.constant 112 : index
        %get3A_1222 = tpu.vector_load %arg9[%get3A_1219, %get3A_1220, %get3A_1221] {strides = array<i32>} : memref<2x128x128xf32, #tpu.memory_space<vmem>>, vector<16xf32>,
        %get3A_1223 = arith.index_cast %rem3A_28 : i32 to index
        %get3A_1224 = arith.index_cast %add3A_1070 : i32 to index
        %get3A_1225 = arith.constant 112 : index
        %get3A_1226 = tpu.vector_load %arg10[%get3A_1223, %get3A_1224, %get3A_1225] {strides = array<i32>} : memref<2x128x128xf32, #tpu.memory_space<vmem>>, vector<16xf32>,
        %mul3A_1227 = arith.mulf %get3A_1222, %get3A_1226 : vector<16xf32>
        %add3A_1228 = arith.addf %add3A_1208, %mul3A_1227 : vector<16xf32>
        %swap3A_1229 = arith.constant 192 : index
        %swap3A_1230 = tpu.vector_load %arg11[%swap3A_1229] {strides = array<i32>} : memref<256xf32, #tpu.memory_space<vmem>>, vector<16xf32>,
        tpu.vector_store %arg11[%swap3A_1229], %add3A_1218 {strides = array<i32>} : memref<256xf32, #tpu.memory_space<vmem>>, vector<16xf32>,
        %swap3A_1231 = arith.constant 208 : index
        %swap3A_1232 = tpu.vector_load %arg11[%swap3A_1231] {strides = array<i32>} : memref<256xf32, #tpu.memory_space<vmem>>, vector<16xf32>,
        tpu.vector_store %arg11[%swap3A_1231], %add3A_1228 {strides = array<i32>} : memref<256xf32, #tpu.memory_space<vmem>>, vector<16xf32>,
        %mul3A_1233 = arith.constant 16 : i32
        %mul3A_1234 = arith.muli %scan3A_58, %mul3A_1233 : i32
        %add3A_1235 = arith.constant 14 : i32
        %add3A_1236 = arith.addi %mul3A_1234, %add3A_1235 : i32
        %add3A_1237 = arith.constant 1 : i32
        %add3A_1238 = arith.addi %add3A_1236, %add3A_1237 : i32
        %get3A_1239 = arith.index_cast %rem3A_28 : i32 to index
        %get3A_1240 = arith.index_cast %add3A_1236 : i32 to index
        %get3A_1241 = arith.constant 0 : index
        %get3A_1242 = tpu.vector_load %arg9[%get3A_1239, %get3A_1240, %get3A_1241] {strides = array<i32>} : memref<2x128x128xf32, #tpu.memory_space<vmem>>, vector<16xf32>,
        %get3A_1243 = arith.index_cast %rem3A_28 : i32 to index
        %get3A_1244 = arith.index_cast %add3A_1236 : i32 to index
        %get3A_1245 = arith.constant 0 : index
        %get3A_1246 = tpu.vector_load %arg10[%get3A_1243, %get3A_1244, %get3A_1245] {strides = array<i32>} : memref<2x128x128xf32, #tpu.memory_space<vmem>>, vector<16xf32>,
        %mul3A_1247 = arith.mulf %get3A_1242, %get3A_1246 : vector<16xf32>
        %get3A_1248 = arith.index_cast %rem3A_28 : i32 to index
        %get3A_1249 = arith.index_cast %add3A_1238 : i32 to index
        %get3A_1250 = arith.constant 0 : index
        %get3A_1251 = tpu.vector_load %arg9[%get3A_1248, %get3A_1249, %get3A_1250] {strides = array<i32>} : memref<2x128x128xf32, #tpu.memory_space<vmem>>, vector<16xf32>,
        %get3A_1252 = arith.index_cast %rem3A_28 : i32 to index
        %get3A_1253 = arith.index_cast %add3A_1238 : i32 to index
        %get3A_1254 = arith.constant 0 : index
        %get3A_1255 = tpu.vector_load %arg10[%get3A_1252, %get3A_1253, %get3A_1254] {strides = array<i32>} : memref<2x128x128xf32, #tpu.memory_space<vmem>>, vector<16xf32>,
        %mul3A_1256 = arith.mulf %get3A_1251, %get3A_1255 : vector<16xf32>
        %get3A_1257 = arith.index_cast %rem3A_28 : i32 to index
        %get3A_1258 = arith.index_cast %add3A_1236 : i32 to index
        %get3A_1259 = arith.constant 16 : index
        %get3A_1260 = tpu.vector_load %arg9[%get3A_1257, %get3A_1258, %get3A_1259] {strides = array<i32>} : memref<2x128x128xf32, #tpu.memory_space<vmem>>, vector<16xf32>,
        %get3A_1261 = arith.index_cast %rem3A_28 : i32 to index
        %get3A_1262 = arith.index_cast %add3A_1236 : i32 to index
        %get3A_1263 = arith.constant 16 : index
        %get3A_1264 = tpu.vector_load %arg10[%get3A_1261, %get3A_1262, %get3A_1263] {strides = array<i32>} : memref<2x128x128xf32, #tpu.memory_space<vmem>>, vector<16xf32>,
        %mul3A_1265 = arith.mulf %get3A_1260, %get3A_1264 : vector<16xf32>
        %add3A_1266 = arith.addf %mul3A_1247, %mul3A_1265 : vector<16xf32>
        %get3A_1267 = arith.index_cast %rem3A_28 : i32 to index
        %get3A_1268 = arith.index_cast %add3A_1238 : i32 to index
        %get3A_1269 = arith.constant 16 : index
        %get3A_1270 = tpu.vector_load %arg9[%get3A_1267, %get3A_1268, %get3A_1269] {strides = array<i32>} : memref<2x128x128xf32, #tpu.memory_space<vmem>>, vector<16xf32>,
        %get3A_1271 = arith.index_cast %rem3A_28 : i32 to index
        %get3A_1272 = arith.index_cast %add3A_1238 : i32 to index
        %get3A_1273 = arith.constant 16 : index
        %get3A_1274 = tpu.vector_load %arg10[%get3A_1271, %get3A_1272, %get3A_1273] {strides = array<i32>} : memref<2x128x128xf32, #tpu.memory_space<vmem>>, vector<16xf32>,
        %mul3A_1275 = arith.mulf %get3A_1270, %get3A_1274 : vector<16xf32>
        %add3A_1276 = arith.addf %mul3A_1256, %mul3A_1275 : vector<16xf32>
        %get3A_1277 = arith.index_cast %rem3A_28 : i32 to index
        %get3A_1278 = arith.index_cast %add3A_1236 : i32 to index
        %get3A_1279 = arith.constant 32 : index
        %get3A_1280 = tpu.vector_load %arg9[%get3A_1277, %get3A_1278, %get3A_1279] {strides = array<i32>} : memref<2x128x128xf32, #tpu.memory_space<vmem>>, vector<16xf32>,
        %get3A_1281 = arith.index_cast %rem3A_28 : i32 to index
        %get3A_1282 = arith.index_cast %add3A_1236 : i32 to index
        %get3A_1283 = arith.constant 32 : index
        %get3A_1284 = tpu.vector_load %arg10[%get3A_1281, %get3A_1282, %get3A_1283] {strides = array<i32>} : memref<2x128x128xf32, #tpu.memory_space<vmem>>, vector<16xf32>,
        %mul3A_1285 = arith.mulf %get3A_1280, %get3A_1284 : vector<16xf32>
        %add3A_1286 = arith.addf %add3A_1266, %mul3A_1285 : vector<16xf32>
        %get3A_1287 = arith.index_cast %rem3A_28 : i32 to index
        %get3A_1288 = arith.index_cast %add3A_1238 : i32 to index
        %get3A_1289 = arith.constant 32 : index
        %get3A_1290 = tpu.vector_load %arg9[%get3A_1287, %get3A_1288, %get3A_1289] {strides = array<i32>} : memref<2x128x128xf32, #tpu.memory_space<vmem>>, vector<16xf32>,
        %get3A_1291 = arith.index_cast %rem3A_28 : i32 to index
        %get3A_1292 = arith.index_cast %add3A_1238 : i32 to index
        %get3A_1293 = arith.constant 32 : index
        %get3A_1294 = tpu.vector_load %arg10[%get3A_1291, %get3A_1292, %get3A_1293] {strides = array<i32>} : memref<2x128x128xf32, #tpu.memory_space<vmem>>, vector<16xf32>,
        %mul3A_1295 = arith.mulf %get3A_1290, %get3A_1294 : vector<16xf32>
        %add3A_1296 = arith.addf %add3A_1276, %mul3A_1295 : vector<16xf32>
        %get3A_1297 = arith.index_cast %rem3A_28 : i32 to index
        %get3A_1298 = arith.index_cast %add3A_1236 : i32 to index
        %get3A_1299 = arith.constant 48 : index
        %get3A_1300 = tpu.vector_load %arg9[%get3A_1297, %get3A_1298, %get3A_1299] {strides = array<i32>} : memref<2x128x128xf32, #tpu.memory_space<vmem>>, vector<16xf32>,
        %get3A_1301 = arith.index_cast %rem3A_28 : i32 to index
        %get3A_1302 = arith.index_cast %add3A_1236 : i32 to index
        %get3A_1303 = arith.constant 48 : index
        %get3A_1304 = tpu.vector_load %arg10[%get3A_1301, %get3A_1302, %get3A_1303] {strides = array<i32>} : memref<2x128x128xf32, #tpu.memory_space<vmem>>, vector<16xf32>,
        %mul3A_1305 = arith.mulf %get3A_1300, %get3A_1304 : vector<16xf32>
        %add3A_1306 = arith.addf %add3A_1286, %mul3A_1305 : vector<16xf32>
        %get3A_1307 = arith.index_cast %rem3A_28 : i32 to index
        %get3A_1308 = arith.index_cast %add3A_1238 : i32 to index
        %get3A_1309 = arith.constant 48 : index
        %get3A_1310 = tpu.vector_load %arg9[%get3A_1307, %get3A_1308, %get3A_1309] {strides = array<i32>} : memref<2x128x128xf32, #tpu.memory_space<vmem>>, vector<16xf32>,
        %get3A_1311 = arith.index_cast %rem3A_28 : i32 to index
        %get3A_1312 = arith.index_cast %add3A_1238 : i32 to index
        %get3A_1313 = arith.constant 48 : index
        %get3A_1314 = tpu.vector_load %arg10[%get3A_1311, %get3A_1312, %get3A_1313] {strides = array<i32>} : memref<2x128x128xf32, #tpu.memory_space<vmem>>, vector<16xf32>,
        %mul3A_1315 = arith.mulf %get3A_1310, %get3A_1314 : vector<16xf32>
        %add3A_1316 = arith.addf %add3A_1296, %mul3A_1315 : vector<16xf32>
        %get3A_1317 = arith.index_cast %rem3A_28 : i32 to index
        %get3A_1318 = arith.index_cast %add3A_1236 : i32 to index
        %get3A_1319 = arith.constant 64 : index
        %get3A_1320 = tpu.vector_load %arg9[%get3A_1317, %get3A_1318, %get3A_1319] {strides = array<i32>} : memref<2x128x128xf32, #tpu.memory_space<vmem>>, vector<16xf32>,
        %get3A_1321 = arith.index_cast %rem3A_28 : i32 to index
        %get3A_1322 = arith.index_cast %add3A_1236 : i32 to index
        %get3A_1323 = arith.constant 64 : index
        %get3A_1324 = tpu.vector_load %arg10[%get3A_1321, %get3A_1322, %get3A_1323] {strides = array<i32>} : memref<2x128x128xf32, #tpu.memory_space<vmem>>, vector<16xf32>,
        %mul3A_1325 = arith.mulf %get3A_1320, %get3A_1324 : vector<16xf32>
        %add3A_1326 = arith.addf %add3A_1306, %mul3A_1325 : vector<16xf32>
        %get3A_1327 = arith.index_cast %rem3A_28 : i32 to index
        %get3A_1328 = arith.index_cast %add3A_1238 : i32 to index
        %get3A_1329 = arith.constant 64 : index
        %get3A_1330 = tpu.vector_load %arg9[%get3A_1327, %get3A_1328, %get3A_1329] {strides = array<i32>} : memref<2x128x128xf32, #tpu.memory_space<vmem>>, vector<16xf32>,
        %get3A_1331 = arith.index_cast %rem3A_28 : i32 to index
        %get3A_1332 = arith.index_cast %add3A_1238 : i32 to index
        %get3A_1333 = arith.constant 64 : index
        %get3A_1334 = tpu.vector_load %arg10[%get3A_1331, %get3A_1332, %get3A_1333] {strides = array<i32>} : memref<2x128x128xf32, #tpu.memory_space<vmem>>, vector<16xf32>,
        %mul3A_1335 = arith.mulf %get3A_1330, %get3A_1334 : vector<16xf32>
        %add3A_1336 = arith.addf %add3A_1316, %mul3A_1335 : vector<16xf32>
        %get3A_1337 = arith.index_cast %rem3A_28 : i32 to index
        %get3A_1338 = arith.index_cast %add3A_1236 : i32 to index
        %get3A_1339 = arith.constant 80 : index
        %get3A_1340 = tpu.vector_load %arg9[%get3A_1337, %get3A_1338, %get3A_1339] {strides = array<i32>} : memref<2x128x128xf32, #tpu.memory_space<vmem>>, vector<16xf32>,
        %get3A_1341 = arith.index_cast %rem3A_28 : i32 to index
        %get3A_1342 = arith.index_cast %add3A_1236 : i32 to index
        %get3A_1343 = arith.constant 80 : index
        %get3A_1344 = tpu.vector_load %arg10[%get3A_1341, %get3A_1342, %get3A_1343] {strides = array<i32>} : memref<2x128x128xf32, #tpu.memory_space<vmem>>, vector<16xf32>,
        %mul3A_1345 = arith.mulf %get3A_1340, %get3A_1344 : vector<16xf32>
        %add3A_1346 = arith.addf %add3A_1326, %mul3A_1345 : vector<16xf32>
        %get3A_1347 = arith.index_cast %rem3A_28 : i32 to index
        %get3A_1348 = arith.index_cast %add3A_1238 : i32 to index
        %get3A_1349 = arith.constant 80 : index
        %get3A_1350 = tpu.vector_load %arg9[%get3A_1347, %get3A_1348, %get3A_1349] {strides = array<i32>} : memref<2x128x128xf32, #tpu.memory_space<vmem>>, vector<16xf32>,
        %get3A_1351 = arith.index_cast %rem3A_28 : i32 to index
        %get3A_1352 = arith.index_cast %add3A_1238 : i32 to index
        %get3A_1353 = arith.constant 80 : index
        %get3A_1354 = tpu.vector_load %arg10[%get3A_1351, %get3A_1352, %get3A_1353] {strides = array<i32>} : memref<2x128x128xf32, #tpu.memory_space<vmem>>, vector<16xf32>,
        %mul3A_1355 = arith.mulf %get3A_1350, %get3A_1354 : vector<16xf32>
        %add3A_1356 = arith.addf %add3A_1336, %mul3A_1355 : vector<16xf32>
        %get3A_1357 = arith.index_cast %rem3A_28 : i32 to index
        %get3A_1358 = arith.index_cast %add3A_1236 : i32 to index
        %get3A_1359 = arith.constant 96 : index
        %get3A_1360 = tpu.vector_load %arg9[%get3A_1357, %get3A_1358, %get3A_1359] {strides = array<i32>} : memref<2x128x128xf32, #tpu.memory_space<vmem>>, vector<16xf32>,
        %get3A_1361 = arith.index_cast %rem3A_28 : i32 to index
        %get3A_1362 = arith.index_cast %add3A_1236 : i32 to index
        %get3A_1363 = arith.constant 96 : index
        %get3A_1364 = tpu.vector_load %arg10[%get3A_1361, %get3A_1362, %get3A_1363] {strides = array<i32>} : memref<2x128x128xf32, #tpu.memory_space<vmem>>, vector<16xf32>,
        %mul3A_1365 = arith.mulf %get3A_1360, %get3A_1364 : vector<16xf32>
        %add3A_1366 = arith.addf %add3A_1346, %mul3A_1365 : vector<16xf32>
        %get3A_1367 = arith.index_cast %rem3A_28 : i32 to index
        %get3A_1368 = arith.index_cast %add3A_1238 : i32 to index
        %get3A_1369 = arith.constant 96 : index
        %get3A_1370 = tpu.vector_load %arg9[%get3A_1367, %get3A_1368, %get3A_1369] {strides = array<i32>} : memref<2x128x128xf32, #tpu.memory_space<vmem>>, vector<16xf32>,
        %get3A_1371 = arith.index_cast %rem3A_28 : i32 to index
        %get3A_1372 = arith.index_cast %add3A_1238 : i32 to index
        %get3A_1373 = arith.constant 96 : index
        %get3A_1374 = tpu.vector_load %arg10[%get3A_1371, %get3A_1372, %get3A_1373] {strides = array<i32>} : memref<2x128x128xf32, #tpu.memory_space<vmem>>, vector<16xf32>,
        %mul3A_1375 = arith.mulf %get3A_1370, %get3A_1374 : vector<16xf32>
        %add3A_1376 = arith.addf %add3A_1356, %mul3A_1375 : vector<16xf32>
        %get3A_1377 = arith.index_cast %rem3A_28 : i32 to index
        %get3A_1378 = arith.index_cast %add3A_1236 : i32 to index
        %get3A_1379 = arith.constant 112 : index
        %get3A_1380 = tpu.vector_load %arg9[%get3A_1377, %get3A_1378, %get3A_1379] {strides = array<i32>} : memref<2x128x128xf32, #tpu.memory_space<vmem>>, vector<16xf32>,
        %get3A_1381 = arith.index_cast %rem3A_28 : i32 to index
        %get3A_1382 = arith.index_cast %add3A_1236 : i32 to index
        %get3A_1383 = arith.constant 112 : index
        %get3A_1384 = tpu.vector_load %arg10[%get3A_1381, %get3A_1382, %get3A_1383] {strides = array<i32>} : memref<2x128x128xf32, #tpu.memory_space<vmem>>, vector<16xf32>,
        %mul3A_1385 = arith.mulf %get3A_1380, %get3A_1384 : vector<16xf32>
        %add3A_1386 = arith.addf %add3A_1366, %mul3A_1385 : vector<16xf32>
        %get3A_1387 = arith.index_cast %rem3A_28 : i32 to index
        %get3A_1388 = arith.index_cast %add3A_1238 : i32 to index
        %get3A_1389 = arith.constant 112 : index
        %get3A_1390 = tpu.vector_load %arg9[%get3A_1387, %get3A_1388, %get3A_1389] {strides = array<i32>} : memref<2x128x128xf32, #tpu.memory_space<vmem>>, vector<16xf32>,
        %get3A_1391 = arith.index_cast %rem3A_28 : i32 to index
        %get3A_1392 = arith.index_cast %add3A_1238 : i32 to index
        %get3A_1393 = arith.constant 112 : index
        %get3A_1394 = tpu.vector_load %arg10[%get3A_1391, %get3A_1392, %get3A_1393] {strides = array<i32>} : memref<2x128x128xf32, #tpu.memory_space<vmem>>, vector<16xf32>,
        %mul3A_1395 = arith.mulf %get3A_1390, %get3A_1394 : vector<16xf32>
        %add3A_1396 = arith.addf %add3A_1376, %mul3A_1395 : vector<16xf32>
        %swap3A_1397 = arith.constant 224 : index
        %swap3A_1398 = tpu.vector_load %arg11[%swap3A_1397] {strides = array<i32>} : memref<256xf32, #tpu.memory_space<vmem>>, vector<16xf32>,
        tpu.vector_store %arg11[%swap3A_1397], %add3A_1386 {strides = array<i32>} : memref<256xf32, #tpu.memory_space<vmem>>, vector<16xf32>,
        %swap3A_1399 = arith.constant 240 : index
        %swap3A_1400 = tpu.vector_load %arg11[%swap3A_1399] {strides = array<i32>} : memref<256xf32, #tpu.memory_space<vmem>>, vector<16xf32>,
        tpu.vector_store %arg11[%swap3A_1399], %add3A_1396 {strides = array<i32>} : memref<256xf32, #tpu.memory_space<vmem>>, vector<16xf32>,
        %mul3A_1401 = arith.constant 16 : i32
        %mul3A_1402 = vector.broadcast %mul3A_1401 : i32 to vector<16xi32>
        %mul3A_1403 = arith.muli %iota3A, %mul3A_1402 : vector<16xi32>
        %add3A_1404 = arith.constant 0 : i32
        %add3A_1405 = vector.broadcast %add3A_1404 : i32 to vector<16xi32>
        %add3A_1406 = arith.addi %mul3A_1403, %add3A_1405 : vector<16xi32>
        %gather3A = tpu.vector_load_idx %arg11[%add3A_1406] : memref<256xf32, #tpu.memory_space<vmem>>[vector<16xi32>], vector<16xf32>,
        %mul3A_1407 = arith.constant 16 : i32
        %mul3A_1408 = vector.broadcast %mul3A_1407 : i32 to vector<16xi32>
        %mul3A_1409 = arith.muli %iota3A, %mul3A_1408 : vector<16xi32>
        %add3A_1410 = arith.constant 1 : i32
        %add3A_1411 = vector.broadcast %add3A_1410 : i32 to vector<16xi32>
        %add3A_1412 = arith.addi %mul3A_1409, %add3A_1411 : vector<16xi32>
        %gather3A_1413 = tpu.vector_load_idx %arg11[%add3A_1412] : memref<256xf32, #tpu.memory_space<vmem>>[vector<16xi32>], vector<16xf32>,
        %mul3A_1414 = arith.constant 16 : i32
        %mul3A_1415 = vector.broadcast %mul3A_1414 : i32 to vector<16xi32>
        %mul3A_1416 = arith.muli %iota3A, %mul3A_1415 : vector<16xi32>
        %add3A_1417 = arith.constant 2 : i32
        %add3A_1418 = vector.broadcast %add3A_1417 : i32 to vector<16xi32>
        %add3A_1419 = arith.addi %mul3A_1416, %add3A_1418 : vector<16xi32>
        %gather3A_1420 = tpu.vector_load_idx %arg11[%add3A_1419] : memref<256xf32, #tpu.memory_space<vmem>>[vector<16xi32>], vector<16xf32>,
        %mul3A_1421 = arith.constant 16 : i32
        %mul3A_1422 = vector.broadcast %mul3A_1421 : i32 to vector<16xi32>
        %mul3A_1423 = arith.muli %iota3A, %mul3A_1422 : vector<16xi32>
        %add3A_1424 = arith.constant 3 : i32
        %add3A_1425 = vector.broadcast %add3A_1424 : i32 to vector<16xi32>
        %add3A_1426 = arith.addi %mul3A_1423, %add3A_1425 : vector<16xi32>
        %gather3A_1427 = tpu.vector_load_idx %arg11[%add3A_1426] : memref<256xf32, #tpu.memory_space<vmem>>[vector<16xi32>], vector<16xf32>,
        %mul3A_1428 = arith.constant 16 : i32
        %mul3A_1429 = vector.broadcast %mul3A_1428 : i32 to vector<16xi32>
        %mul3A_1430 = arith.muli %iota3A, %mul3A_1429 : vector<16xi32>
        %add3A_1431 = arith.constant 4 : i32
        %add3A_1432 = vector.broadcast %add3A_1431 : i32 to vector<16xi32>
        %add3A_1433 = arith.addi %mul3A_1430, %add3A_1432 : vector<16xi32>
        %gather3A_1434 = tpu.vector_load_idx %arg11[%add3A_1433] : memref<256xf32, #tpu.memory_space<vmem>>[vector<16xi32>], vector<16xf32>,
        %mul3A_1435 = arith.constant 16 : i32
        %mul3A_1436 = vector.broadcast %mul3A_1435 : i32 to vector<16xi32>
        %mul3A_1437 = arith.muli %iota3A, %mul3A_1436 : vector<16xi32>
        %add3A_1438 = arith.constant 5 : i32
        %add3A_1439 = vector.broadcast %add3A_1438 : i32 to vector<16xi32>
        %add3A_1440 = arith.addi %mul3A_1437, %add3A_1439 : vector<16xi32>
        %gather3A_1441 = tpu.vector_load_idx %arg11[%add3A_1440] : memref<256xf32, #tpu.memory_space<vmem>>[vector<16xi32>], vector<16xf32>,
        %mul3A_1442 = arith.constant 16 : i32
        %mul3A_1443 = vector.broadcast %mul3A_1442 : i32 to vector<16xi32>
        %mul3A_1444 = arith.muli %iota3A, %mul3A_1443 : vector<16xi32>
        %add3A_1445 = arith.constant 6 : i32
        %add3A_1446 = vector.broadcast %add3A_1445 : i32 to vector<16xi32>
        %add3A_1447 = arith.addi %mul3A_1444, %add3A_1446 : vector<16xi32>
        %gather3A_1448 = tpu.vector_load_idx %arg11[%add3A_1447] : memref<256xf32, #tpu.memory_space<vmem>>[vector<16xi32>], vector<16xf32>,
        %mul3A_1449 = arith.constant 16 : i32
        %mul3A_1450 = vector.broadcast %mul3A_1449 : i32 to vector<16xi32>
        %mul3A_1451 = arith.muli %iota3A, %mul3A_1450 : vector<16xi32>
        %add3A_1452 = arith.constant 7 : i32
        %add3A_1453 = vector.broadcast %add3A_1452 : i32 to vector<16xi32>
        %add3A_1454 = arith.addi %mul3A_1451, %add3A_1453 : vector<16xi32>
        %gather3A_1455 = tpu.vector_load_idx %arg11[%add3A_1454] : memref<256xf32, #tpu.memory_space<vmem>>[vector<16xi32>], vector<16xf32>,
        %mul3A_1456 = arith.constant 16 : i32
        %mul3A_1457 = vector.broadcast %mul3A_1456 : i32 to vector<16xi32>
        %mul3A_1458 = arith.muli %iota3A, %mul3A_1457 : vector<16xi32>
        %add3A_1459 = arith.constant 8 : i32
        %add3A_1460 = vector.broadcast %add3A_1459 : i32 to vector<16xi32>
        %add3A_1461 = arith.addi %mul3A_1458, %add3A_1460 : vector<16xi32>
        %gather3A_1462 = tpu.vector_load_idx %arg11[%add3A_1461] : memref<256xf32, #tpu.memory_space<vmem>>[vector<16xi32>], vector<16xf32>,
        %mul3A_1463 = arith.constant 16 : i32
        %mul3A_1464 = vector.broadcast %mul3A_1463 : i32 to vector<16xi32>
        %mul3A_1465 = arith.muli %iota3A, %mul3A_1464 : vector<16xi32>
        %add3A_1466 = arith.constant 9 : i32
        %add3A_1467 = vector.broadcast %add3A_1466 : i32 to vector<16xi32>
        %add3A_1468 = arith.addi %mul3A_1465, %add3A_1467 : vector<16xi32>
        %gather3A_1469 = tpu.vector_load_idx %arg11[%add3A_1468] : memref<256xf32, #tpu.memory_space<vmem>>[vector<16xi32>], vector<16xf32>,
        %mul3A_1470 = arith.constant 16 : i32
        %mul3A_1471 = vector.broadcast %mul3A_1470 : i32 to vector<16xi32>
        %mul3A_1472 = arith.muli %iota3A, %mul3A_1471 : vector<16xi32>
        %add3A_1473 = arith.constant 10 : i32
        %add3A_1474 = vector.broadcast %add3A_1473 : i32 to vector<16xi32>
        %add3A_1475 = arith.addi %mul3A_1472, %add3A_1474 : vector<16xi32>
        %gather3A_1476 = tpu.vector_load_idx %arg11[%add3A_1475] : memref<256xf32, #tpu.memory_space<vmem>>[vector<16xi32>], vector<16xf32>,
        %mul3A_1477 = arith.constant 16 : i32
        %mul3A_1478 = vector.broadcast %mul3A_1477 : i32 to vector<16xi32>
        %mul3A_1479 = arith.muli %iota3A, %mul3A_1478 : vector<16xi32>
        %add3A_1480 = arith.constant 11 : i32
        %add3A_1481 = vector.broadcast %add3A_1480 : i32 to vector<16xi32>
        %add3A_1482 = arith.addi %mul3A_1479, %add3A_1481 : vector<16xi32>
        %gather3A_1483 = tpu.vector_load_idx %arg11[%add3A_1482] : memref<256xf32, #tpu.memory_space<vmem>>[vector<16xi32>], vector<16xf32>,
        %mul3A_1484 = arith.constant 16 : i32
        %mul3A_1485 = vector.broadcast %mul3A_1484 : i32 to vector<16xi32>
        %mul3A_1486 = arith.muli %iota3A, %mul3A_1485 : vector<16xi32>
        %add3A_1487 = arith.constant 12 : i32
        %add3A_1488 = vector.broadcast %add3A_1487 : i32 to vector<16xi32>
        %add3A_1489 = arith.addi %mul3A_1486, %add3A_1488 : vector<16xi32>
        %gather3A_1490 = tpu.vector_load_idx %arg11[%add3A_1489] : memref<256xf32, #tpu.memory_space<vmem>>[vector<16xi32>], vector<16xf32>,
        %mul3A_1491 = arith.constant 16 : i32
        %mul3A_1492 = vector.broadcast %mul3A_1491 : i32 to vector<16xi32>
        %mul3A_1493 = arith.muli %iota3A, %mul3A_1492 : vector<16xi32>
        %add3A_1494 = arith.constant 13 : i32
        %add3A_1495 = vector.broadcast %add3A_1494 : i32 to vector<16xi32>
        %add3A_1496 = arith.addi %mul3A_1493, %add3A_1495 : vector<16xi32>
        %gather3A_1497 = tpu.vector_load_idx %arg11[%add3A_1496] : memref<256xf32, #tpu.memory_space<vmem>>[vector<16xi32>], vector<16xf32>,
        %mul3A_1498 = arith.constant 16 : i32
        %mul3A_1499 = vector.broadcast %mul3A_1498 : i32 to vector<16xi32>
        %mul3A_1500 = arith.muli %iota3A, %mul3A_1499 : vector<16xi32>
        %add3A_1501 = arith.constant 14 : i32
        %add3A_1502 = vector.broadcast %add3A_1501 : i32 to vector<16xi32>
        %add3A_1503 = arith.addi %mul3A_1500, %add3A_1502 : vector<16xi32>
        %gather3A_1504 = tpu.vector_load_idx %arg11[%add3A_1503] : memref<256xf32, #tpu.memory_space<vmem>>[vector<16xi32>], vector<16xf32>,
        %mul3A_1505 = arith.constant 16 : i32
        %mul3A_1506 = vector.broadcast %mul3A_1505 : i32 to vector<16xi32>
        %mul3A_1507 = arith.muli %iota3A, %mul3A_1506 : vector<16xi32>
        %add3A_1508 = arith.constant 15 : i32
        %add3A_1509 = vector.broadcast %add3A_1508 : i32 to vector<16xi32>
        %add3A_1510 = arith.addi %mul3A_1507, %add3A_1509 : vector<16xi32>
        %gather3A_1511 = tpu.vector_load_idx %arg11[%add3A_1510] : memref<256xf32, #tpu.memory_space<vmem>>[vector<16xi32>], vector<16xf32>,
        %add3A_1512 = arith.addf %gather3A, %gather3A_1413 : vector<16xf32>
        %add3A_1513 = arith.addf %gather3A_1420, %gather3A_1427 : vector<16xf32>
        %add3A_1514 = arith.addf %gather3A_1434, %gather3A_1441 : vector<16xf32>
        %add3A_1515 = arith.addf %gather3A_1448, %gather3A_1455 : vector<16xf32>
        %add3A_1516 = arith.addf %gather3A_1462, %gather3A_1469 : vector<16xf32>
        %add3A_1517 = arith.addf %gather3A_1476, %gather3A_1483 : vector<16xf32>
        %add3A_1518 = arith.addf %gather3A_1490, %gather3A_1497 : vector<16xf32>
        %add3A_1519 = arith.addf %gather3A_1504, %gather3A_1511 : vector<16xf32>
        %add3A_1520 = arith.addf %add3A_1512, %add3A_1513 : vector<16xf32>
        %add3A_1521 = arith.addf %add3A_1514, %add3A_1515 : vector<16xf32>
        %add3A_1522 = arith.addf %add3A_1516, %add3A_1517 : vector<16xf32>
        %add3A_1523 = arith.addf %add3A_1518, %add3A_1519 : vector<16xf32>
        %add3A_1524 = arith.addf %add3A_1520, %add3A_1521 : vector<16xf32>
        %add3A_1525 = arith.addf %add3A_1522, %add3A_1523 : vector<16xf32>
        %add3A_1526 = arith.addf %add3A_1524, %add3A_1525 : vector<16xf32>
        %mul3A_1527 = arith.constant 128 : i32
        %mul3A_1528 = arith.muli %scan3A_27, %mul3A_1527 : i32
        %mul3A_1529 = arith.constant 16 : i32
        %mul3A_1530 = arith.muli %scan3A_58, %mul3A_1529 : i32
        %add3A_1531 = arith.addi %mul3A_1528, %mul3A_1530 : i32
        %swap3A_1532 = arith.index_cast %add3A_1531 : i32 to index
        %swap3A_1533 = tpu.vector_load %arg12[%swap3A_1532] {strides = array<i32>} : memref<512xf32, #tpu.memory_space<vmem>>, vector<16xf32>,
        tpu.vector_store %arg12[%swap3A_1532], %add3A_1526 {strides = array<i32>} : memref<512xf32, #tpu.memory_space<vmem>>, vector<16xf32>,
      }
      %scan3A_57 = arith.constant 8 : i32
    }
    %scan3A_26 = arith.constant 4 : i32
    "tpu.region"() ({
      %run_scoped3A = tpu.sem_alloc : memref<!tpu.dma_semaphore, #tpu.memory_space<semaphore_mem>>
      %dma_start3A_27 = tpu.memref_slice %arg6[%mul3A_2] : memref<16384xf32, #tpu.memory_space<hbm>> -> memref<512xf32, #tpu.memory_space<hbm>>
      %dma_start3A_28 = tpu.memref_slice %arg6[%mul3A_2] : memref<16384xf32, #tpu.memory_space<hbm>> -> memref<512xf32, #tpu.memory_space<hbm>>
      tpu.enqueue_dma source(%arg12 : memref<512xf32, #tpu.memory_space<vmem>>) target(%dma_start3A_28 : memref<512xf32, #tpu.memory_space<hbm>>) target_semaphore(%run_scoped3A : memref<!tpu.dma_semaphore, #tpu.memory_space<semaphore_mem>>)
      %dma_wait3A = tpu.memref_slice %arg6[%mul3A_2] : memref<16384xf32, #tpu.memory_space<hbm>> -> memref<512xf32, #tpu.memory_space<hbm>>
      %dma_wait3A_29 = tpu.memref_slice %arg6[%mul3A_2] : memref<16384xf32, #tpu.memory_space<hbm>> -> memref<512xf32, #tpu.memory_space<hbm>>
      tpu.wait_dma2 semaphore(%run_scoped3A : memref<!tpu.dma_semaphore, #tpu.memory_space<semaphore_mem>>) src(%arg12 : memref<512xf32, #tpu.memory_space<vmem>>) dst(%dma_wait3A_29 : memref<512xf32, #tpu.memory_space<hbm>>)
      tpu.yield
    }) : () -> ()
    return
  }
}

</mosaic_0001>

<sc_bundles>
// kernel: kernel.3.cloned.1.call-start
scs
__scs_entry_jumppad:
0x0: {  	(pc) =	sbr.rel $0x88, $3  }
0x1: {  	(tag) =	ssettag $0x0;
	lr =	simm.s32 $0x1  }
0x2: {  	[smem:$0x3F9D] =	sst lr;
	_ =	strace $0xD0000000  }
0x3: {  	_ = 	snop  }
0x4: {  	_ = 	snop  }
0x5: {  	_ = 	snop  }
0x6: {  	_ = 	snop  }
0x7: {  	_ = 	snop  }
__scs_overlays_trampoline_lowered:
0x8: {  	[smem:$0x3FAC] =	sst s0  }
0x9: {  	[smem:$0x3FAD] =	sst s1  }
0xa: {  	[smem:$0x3FAE] =	sst s2  }
0xb: {  	[smem:$0x3FAF] =	sst s3  }
0xc: {  	[smem:$0x3FB0] =	sst s4  }
0xd: {  	[smem:$0x3FB1] =	sst s5  }
0xe: {  	[smem:$0x3FB2] =	sst s6  }
0xf: {  	[smem:$0x3FB3] =	sst s7  }
0x10: {  	[smem:$0x3FB4] =	sst s8  }
0x11: {  	[smem:$0x3FB5] =	sst s9;
	s0 =	simm.s32 @!p0 $0x0  }
0x12: {  	s1 =	sld [smem:$0x3F9B];
	s0 =	simm.s32 @p0 $0x1  }
0x13: {  	[smem:$0x3FB6] =	sst s0;
	s0 =	simm.s32 @!p1 $0x0  }
0x14: {  	s2 =	sld [smem:$0x3F9A];
	s0 =	simm.s32 @p1 $0x1  }
0x15: {  	[smem:$0x3FB7] =	sst s0;
	s0 =	simm.s32 @!p2 $0x0  }
0x16: {  	s3 =	sld [smem:$0x3FDB];
	s0 =	simm.s32 @p2 $0x1  }
0x17: {  	s4 =	simm.s32 $0x1BF5;
	[smem:$0x3FB9] =	sst s0  }
0x18: {  	s0 =	sld [smem:$0x3F9C];
	_ =	swait.ge [sflag:s4], $0x0  }
0x19: {  	s7 =	sld [smem:$0x3F9D]  }
0x1a: {  	s8 =	sadd.s32 $0xFFFFE003, lr  }
0x1b: {  	s9 =	sadd.s32 $0xFFFFFEF7, lr;
	s5 =	simm.s32 $0xFFFFFFFF;
	p2 =	slt.u32 s8, $0xFFFFF086  }
0x1c: {  	p1 =	slt.u32 s9, $0xF7A;
	s5 =	simm.s32 @!p2 $0x0  }
0x1d: {  	s5 =	simm.s32 @p1 $0x1;
	p0 =	seq.s32 s7, s2  }
0x1e: {  	s7 =	smul.u32 @!p0 $0xF7A, s2;
	p2 =	seq.s32 @!p0 s5, $0x0  }
0x1f: {  	s9 =	smul.u32 $0xF7A, s1;
	s8 =	simm.s32 @!p0 $0x1BF5;
	p2 =	por !p2, p0  }
0x20: {  	[sflag:s8] =	ssyncset.s32 @!p0 $0xFFFFF086;
	s6 =	sadd.s32 @!p0 s3, s7;
	s7 =	simm.s32 @!p0 $0x108  }
0x21: {  	s3 =	sadd.s32 s3, s9;
	s6 =	sadd.s32 @!p0 $0x88, s6;
	s7 =	simm.s32 @p2 $0x1082  }
0x22: {  	[simem:s7], [sflag:s8] =	dma.local @!p0 [hbm:s6], $0xF7A  }
0x23: {  	s9 =	sor.u32 $0xD0000000, s2;
	s6 =	simm.s32 $0x108;
	_ =	swait.ge @!p0 [sflag:s8], $0x0  }
0x24: {  	s3 =	sadd.s32 $0x88, s3;
	s6 =	simm.s32 @!p1 $0x1082;
	[sflag:s4] =	ssyncset.s32 $0xFFFFF086  }
0x25: {  	[simem:s6], [sflag:s4] =	dma.local [hbm:s3], $0xF7A  }
0x26: {  	[smem:$0x3F9D] =	sst s1;
	(tag) =	ssettag s2;
	_ =	strace s9  }
0x27: {  	s1 =	sld [smem:$0x3FAD]  }
0x28: {  	s2 =	sld [smem:$0x3FAE]  }
0x29: {  	s4 =	sld [smem:$0x3FB0]  }
0x2a: {  	p0 =	seq.s32 s5, $0x0;
	s5 =	sld [smem:$0x3FB1]  }
0x2b: {  	s6 =	sld [smem:$0x3FB2]  }
0x2c: {  	s7 =	sld [smem:$0x3FB3]  }
0x2d: {  	s3 =	simm.s32 $0x108;
	s8 =	sld [smem:$0x3FB4]  }
0x2e: {  	s3 =	simm.s32 @!p0 $0x1082;
	s9 =	sld [smem:$0x3FB5]  }
0x2f: {  	lr =	sadd.s32 s0, s3;
	s0 =	sld [smem:$0x3FAC]  }
0x30: {  	s3 =	sld [smem:$0x3FAF]  }
0x31: {  	[smem:$0x3FB8] =	sst s10  }
0x32: {  	s10 =	sld [smem:$0x3FB6];
	_ =	sdelay $0x3  }
0x33: {  	p0 =	seq.s32 s10, $0x1;
	s10 =	sld [smem:$0x3FB8];
	_ =	sdelay $0x3  }
0x34: {  	[smem:$0x3FB8] =	sst s10  }
0x35: {  	s10 =	sld [smem:$0x3FB7];
	_ =	sdelay $0x3  }
0x36: {  	p1 =	seq.s32 s10, $0x1;
	s10 =	sld [smem:$0x3FB8];
	_ =	sdelay $0x3  }
0x37: {  	[smem:$0x3FB8] =	sst s10  }
0x38: {  	s10 =	sld [smem:$0x3FB9]  }
0x39: {  	_ = 	snop;
	(pc) =	sbr.ind lr, $3  }
0x3a: {  	_ = 	snop  }
0x3b: {  	_ = 	snop  }
0x3c: {  	p2 =	seq.s32 s10, $0x1;
	s10 =	sld [smem:$0x3FB8]  }
0x3d: {  	_ =	shalt  }
0x3e: {  	_ =	shalt  }
0x3f: {  	_ =	shalt  }
0x40: {  	_ =	shalt  }
0x41: {  	_ =	shalt  }
0x42: {  	_ =	shalt  }
0x43: {  	_ =	shalt  }
0x44: {  	_ =	shalt  }
0x45: {  	_ =	shalt  }
0x46: {  	_ =	shalt  }
0x47: {  	_ =	shalt  }
0x48: {  	_ =	shalt  }
0x49: {  	_ =	shalt  }
0x4a: {  	_ =	shalt  }
0x4b: {  	_ =	shalt  }
0x4c: {  	_ =	shalt  }
0x4d: {  	_ =	shalt  }
0x4e: {  	_ =	shalt  }
0x4f: {  	_ =	shalt  }
0x50: {  	_ =	shalt  }
0x51: {  	_ =	shalt  }
0x52: {  	_ =	shalt  }
0x53: {  	_ =	shalt  }
0x54: {  	_ =	shalt  }
0x55: {  	_ =	shalt  }
0x56: {  	_ =	shalt  }
0x57: {  	_ =	shalt  }
0x58: {  	_ =	shalt  }
0x59: {  	_ =	shalt  }
0x5a: {  	_ =	shalt  }
0x5b: {  	_ =	shalt  }
0x5c: {  	_ =	shalt  }
0x5d: {  	_ =	shalt  }
0x5e: {  	_ =	shalt  }
0x5f: {  	_ =	shalt  }
0x60: {  	_ =	shalt  }
0x61: {  	_ =	shalt  }
0x62: {  	_ =	shalt  }
0x63: {  	_ =	shalt  }
0x64: {  	_ =	shalt  }
0x65: {  	_ =	shalt  }
0x66: {  	_ =	shalt  }
0x67: {  	_ =	shalt  }
0x68: {  	_ =	shalt  }
0x69: {  	_ =	shalt  }
0x6a: {  	_ =	shalt  }
0x6b: {  	_ =	shalt  }
0x6c: {  	_ =	shalt  }
0x6d: {  	_ =	shalt  }
0x6e: {  	_ =	shalt  }
0x6f: {  	_ =	shalt  }
0x70: {  	_ =	shalt  }
0x71: {  	_ =	shalt  }
0x72: {  	_ =	shalt  }
0x73: {  	_ =	shalt  }
0x74: {  	_ =	shalt  }
0x75: {  	_ =	shalt  }
0x76: {  	_ =	shalt  }
0x77: {  	_ =	shalt  }
0x78: {  	_ =	shalt  }
0x79: {  	_ =	shalt  }
0x7a: {  	_ =	shalt  }
0x7b: {  	_ =	shalt  }
0x7c: {  	_ =	shalt  }
0x7d: {  	_ =	shalt  }
0x7e: {  	_ =	shalt  }
0x7f: {  	_ =	shalt  }
0x80: {  	_ =	shalt  }
0x81: {  	_ =	shalt  }
0x82: {  	_ =	shalt  }
0x83: {  	_ =	shalt  }
0x84: {  	_ =	shalt  }
0x85: {  	_ =	shalt  }
0x86: {  	_ =	shalt  }
0x87: {  	_ =	shalt  }
.Lfunc_end0:
.L_simem_size_0:
called_computation_lowered:
.L_overlay_start_0:
0x88: {  	s2 =	sld [smem:$0x3FD9]  }
0x89: {  	s3 =	sld [smem:$0x3FFE];
	_ =	sdelay $0x1  }
0x8a: {  	s1 =	srdreg.scid  }
0x8b: {  	s0 =	sand.u32 $0x1, s1  }
0x8c: {  	s18 =	sshll.u32 s0, $0xA;
	s2 =	sadd.s32 s3, s2  }
0x8d: {  	s2 =	sadd.s32 s2, s18  }
0x8e: {  	[smem:$0x3FC4] =	sst s2  }
0x8f: {  	_ = 	snop  }
0x90: {  	s2 =	sld [smem:$0x3FC9]  }
0x91: {  	s19 =	sld [smem:$0x3FC8]  }
0x92: {  	s4 =	sld [smem:$0x3FC7]  }
0x93: {  	s5 =	sld [smem:$0x3FC6]  }
0x94: {  	s6 =	sld [smem:$0x3FD0];
	(tm) =	ssettm $0x1  }
0x95: {  	s7 =	sld [smem:$0x3FFB];
	_ =	sdelay $0x3  }
0x96: {  	_ =	strace s7  }
0x97: {  	s7 =	sld [smem:$0x3FFC];
	_ =	sdelay $0x3  }
0x98: {  	_ =	strace s7  }
0x99: {  	s7 =	sld [smem:$0x3FFD];
	_ =	sdelay $0x3  }
0x9a: {  	_ =	strace s7  }
0x9b: {  	_ =	strace $0x8FFFFFFF  }
0x9c: {  	s20 =	sld [smem:$0x3FDB];
	_ =	sdelay $0x1  }
0x9d: {  	s8 =	simm.s32 $_scs_section_size  }
0x9e: {  	s9 =	simm.s32 $_size__tile_overlayer_lowered;
	s10 =	simm.s32 $_tile_overlayer_lowered  }
0x9f: {  	s23 =	simm.s32 $0x1BFF;
	s22 =	sshll.u32 s10, $0x1;
	s7 =	sadd.s32 s8, s20  }
0xa0: {  	s11 =	simm.s32 $0x0;
	s21 =	sshll.u32 s9, $0x1;
	s9 =	sadd.s32 s22, s7  }
0xa1: {  	[timem:s11], [sflag:s23] =	dma.local [hbm:s9], s21  }
0xa2: {  	_ =	swait.ge [sflag:s23], s21  }
0xa3: {  	s8 =	ssub.s32 $0x0, s21;
	[sflag:s23] =	ssyncset.done $0x0  }
0xa4: {  	[sflag:s23] =	ssyncadd.s32 s8;
	_ =	sdelay $0x1  }
0xa5: {  	s24 =	simm.s32 $0x1B8B  }
0xa6: {  	_ =	swait.ge [sflag:s24], $0x1  }
0xa7: {  	[sflag:s24] =	ssyncset.done $0x0  }
0xa8: {  	s25 =	simm.s32 $0x1B8E;
	[sflag:s24] =	ssyncadd.s32 $0xFFFFFFFF  }
0xa9: {  	s26 =	simm.s32 $execute0_lowered;
	[smem:$0x3FD2] =	sst s25  }
0xaa: {  	s8 =	sshll.u32 s26, $0x1;
	_ =	strace $0x80000046;
	[dreg:$0x1] =	wrdreg $0xFFFFFFFF  }
0xab: {  	s28 =	simm.s32 $_size_execute0_lowered;
	s7 =	sadd.s32 s7, s8;
	[dreg:$0x0] =	wrdreg $0x0  }
0xac: {  	s8 =	sshll.u32 s28, $0x1;
	[dreg:$0x2] =	wrdreg s7  }
0xad: {  	[dreg:$0x3] =	wrdreg s8  }
0xae: {  	[dreg:$0x4] =	wrdreg $0xC0  }
0xaf: {  	_ =	task [dreg:s11], $0x5FFFF  }
0xb0: {  	[dreg:$0x1] =	wrdreg $0xFFFFFFFF  }
0xb1: {  	[dreg:$0x0] =	wrdreg $0x60  }
0xb2: {  	[dreg:$0x2] =	wrdreg s2  }
0xb3: {  	[dreg:$0x3] =	wrdreg s19  }
0xb4: {  	[dreg:$0x4] =	wrdreg s4  }
0xb5: {  	[dreg:$0x5] =	wrdreg s5  }
0xb6: {  	[dreg:$0x6] =	wrdreg s6  }
0xb7: {  	[dreg:$0x7] =	wrdreg $0x9  }
0xb8: {  	_ =	task.clear_ibuf [dreg:s11], $0x8FFFF;
	_ =	strace $0x90000046  }
0xb9: {  	s29 =	simm.s32 $0x9;
	_ =	strace $0x80000048  }
0xba: {  	_ =	swait.ge [sflag:s29], $0x1  }
0xbb: {  	[sflag:s29] =	ssyncadd.s32 $0xFFFFFFFF  }
0xbc: {  	_ =	strace $0x90000048  }
0xbd: {  	_ =	sfence  }
0xbe: {  	s30 =	sld [smem:$0x0];
	_ =	sdelay $0x2  }
0xbf: {  	s31 =	sshll.u32 s1, $0xD;
	s1 =	sshrl.u32 s1, $0x2  }
0xc0: {  	s3 =	sand.u32 $0x4000, s31;
	s1 =	sadd.s32 s1, s30  }
0xc1: {  	s0 =	sor.u32 s3, s0;
	s1 =	sshll.u32 s1, $0x11  }
0xc2: {  	s0 =	sor.u32 s1, s0  }
0xc3: {  	s0 =	sadd.s32 $0x8F2B, s0  }
0xc4: {  	[sflag:s0] =	ssyncadd.remote.s32 $0x1  }
0xc5: {  	_ =	sfence.sel $0xFFFF  }
0xc6: {  	[dreg:$0x0] =	wrdreg $0xFFFFFFFF;
	(pc) =	sbr.abs _section_cstart, $3  }
0xc7: {  	[dreg:$0x1] =	wrdreg $0xFFFFFFFF  }
0xc8: {  	_ =	task.clear_ibuf [dreg:s11], $0x2FFFF;
	_ =	strace $0x9FFFFFFF  }
0xc9: {  	(tm) =	ssettm $0x7FFFFFFF  }
tec
execute0_lowered:
.L_overlay_start_1:
0x0: {  	(tag) =	ssettag $0x1  }
0x1: {  	s0 =	rddreg [dreg:$0x0]  }
0x2: {  	s3 =	rddreg [dreg:$0x1]  }
0x3: {  	s1 =	rddreg [dreg:$0x2]  }
0x4: {  	s2 =	rddreg [dreg:$0x3]  }
0x5: {  	s7 =	rddreg [dreg:$0x4];
	s4 =	simm.s32 $0x0;
	s5 =	srdreg.scid;
	v0 =	vlaneseq.u32  }
0x6: {  	s8 =	stileid.u32;
	s10 =	simm.s32 $0x200;
	s11 =	simm.s32 $0x80;
	v0 =	vmul.u32 $0x10, v0  }
0x7: {  	s14 =	simm.s32 $0x1;
	s15 =	simm.s32 $0x2;
	s16 =	simm.s32 $0x10400  }
0x8: {  	s18 =	simm.s32 $0x0;
	[smem:$0x7FF] =	sst s4;
	s5 =	sand.u32 $0x1, s5;
	v1 =	vor.u32 $0x1, v0;
	v2 =	vor.u32 $0x2, v0;
	v3 =	vor.u32 $0x3, v0  }
0x9: {  	s8 =	sshll.u32 s8, $0x7;
	s6 =	ssub.s32 $0x2, s5;
	s5 =	sshll.u32 s5, $0x6;
	v4 =	vor.u32 $0x4, v0;
	v5 =	vor.u32 $0x5, v0;
	v6 =	vor.u32 $0x6, v0  }
0xa: {  	_ =	strace $0x80000047;
	s9 =	sshrl.u32 s6, $0x1;
	s8 =	sor.u32 s5, s8;
	v7 =	vor.u32 $0x7, v0;
	v8 =	vor.u32 $0x8, v0;
	v9 =	vor.u32 $0x9, v0  }
0xb: {  	v10 =	vor.u32 $0xA, v0;
	v11 =	vor.u32 $0xB, v0;
	v12 =	vor.u32 $0xC, v0;
	s9 =	ssub.s32 s6, s9;
	s5 =	sadd.s32 s0, s8;
	s6 =	sadd.s32 s3, s8  }
0xc: {  	v13 =	vor.u32 $0xD, v0;
	v14 =	vor.u32 $0xE, v0;
	v15 =	vor.u32 $0xF, v0;
	s7 =	sadd.s32 s7, s8;
	s8 =	smax.u32 s9, $0x1;
	s9 =	simm.s32 $0x3  }
.LBB2_1:
0xd: {  	[tilespmem:s4], [sflag:$0x3] =	stream.linear.gather [hbm4b:s5+s4], $0x200, $0x38;
	[tilespmem:$0x10700] =	vst v63  }
0xe: {  	_ =	swait.ge [sflag:s9], $0x200  }
0xf: {  	[sflag:s9] =	ssyncset.done $0x0  }
0x10: {  	[sflag:s9] =	ssyncadd.s32 $0xFFFFFE00  }
0x11: {  	[tilespmem:s10], [sflag:$0x3] =	stream.linear.gather [hbm4b:s6+s4], $0x200, $0x38;
	[tilespmem:$0x10700] =	vst v63  }
0x12: {  	_ =	swait.ge [sflag:s9], $0x200  }
0x13: {  	[sflag:s9] =	ssyncset.done $0x0  }
0x14: {  	s0 =	simm.s32 $0x400;
	[sflag:s9] =	ssyncadd.s32 $0xFFFFFE00  }
0x15: {  	[tilespmem:s0], [sflag:$0x1] =	stream.indirect.gather [hbm4b:s1+s11], $0x80, s4, s11, $0xb8;
	[tilespmem:$0x10700] =	vst v63  }
0x16: {  	s31 =	simm.s32 $0x8400;
	s19 =	simm.s32 $0x0  }
0x17: {  	[tilespmem:s31], [sflag:$0x2] =	stream.indirect.gather [hbm4b:s2+s11], $0x80, s10, s11, $0xb8;
	[tilespmem:$0x10700] =	vst v63  }
.LBB2_3:
0x18: {  	_ =	swait.ge [sflag:s14], $0x4000;
	s0 =	smov.u32 s19  }
0x19: {  	s19 =	sadd.s32 $0x1, s19;
	[sflag:s14] =	ssyncset.done $0x0;
	p0 =	seq.s32 s0, $0x3  }
0x1a: {  	s25 =	sshll.u32 s0, $0xE;
	s0 =	sshll.u32 s0, $0x7;
	[sflag:s14] =	ssyncadd.s32 $0xFFFFC000  }
0x1b: {  	s3 =	sshll.u32 @!p0 s19, $0xE;
	s20 =	sshll.u32 @!p0 s19, $0x7;
	_ =	swait.ge [sflag:s15], $0x4000  }
0x1c: {  	s21 =	simm.s32 @!p0 $0x80;
	s3 =	sand.u32 @!p0 $0x4000, s3;
	[sflag:s15] =	ssyncset.done $0x0  }
0x1d: {  	s0 =	sand.u32 $0x3FFFFF80, s0;
	s12 =	sor.u32 @!p0 $0x400, s3;
	[sflag:s15] =	ssyncadd.s32 $0xFFFFC000  }
0x1e: {  	[tilespmem:s12], [sflag:$0x1] =	stream.indirect.gather @!p0 [hbm4b:s1+s21], $0x80, s20, s21, $0xb8;
	[tilespmem:$0x10700] =	vst v63  }
0x1f: {  	s17 =	sadd.s32 $0x10500, s0;
	s12 =	sadd.s32 @!p0 $0x200, s20;
	s20 =	sand.u32 $0x4000, s25  }
0x20: {  	s3 =	sor.u32 @!p0 $0x8400, s3;
	s26 =	sor.u32 $0x100, s20;
	s13 =	sor.u32 $0x200, s20  }
0x21: {  	s22 =	sor.u32 $0x300, s20;
	s23 =	sor.u32 $0x380, s20;
	s24 =	sor.u32 $0x400, s20  }
0x22: {  	s25 =	sor.u32 $0x480, s20;
	s28 =	sor.u32 $0x580, s20;
	s29 =	sor.u32 $0x600, s20  }
0x23: {  	[tilespmem:s3], [sflag:$0x2] =	stream.indirect.gather @!p0 [hbm4b:s2+s21], $0x80, s12, s21, $0xb8;
	[tilespmem:$0x10700] =	vst v63  }
0x24: {  	s30 =	sor.u32 $0x680, s20;
	s31 =	sor.u32 $0x700, s20;
	[dreg:$0x7] =	wrdreg s26  }
0x25: {  	s0 =	sor.u32 $0x780, s20;
	s3 =	sor.u32 $0x80, s20;
	[dreg:$0x9] =	wrdreg s13  }
0x26: {  	s12 =	sor.u32 $0x180, s20;
	s21 =	sor.u32 $0x280, s20;
	[dreg:$0x6] =	wrdreg s3  }
0x27: {  	v16 =	vmov s17;
	s26 =	sor.u32 $0x500, s20;
	[dreg:$0x8] =	wrdreg s12;
	s3 =	simm.s32 $0x0  }
.LBB2_4:
0x28: {  	s12 =	sshll.u32 s3, $0xB  }
0x29: {  	s17 =	sor.u32 s20, s12  }
0x2a: {  	s13 =	rddreg [dreg:$0x6];
	v17 =	vld [tilespmem:s17+$0x400]  }
0x2b: {  	s13 =	sor.u32 s13, s12;
	v18 =	vld [tilespmem:s17+$0x8400]  }
0x2c: {  	v19 =	vld [tilespmem:s13+$0x400]  }
0x2d: {  	v20 =	vld [tilespmem:s13+$0x8400]  }
0x2e: {  	v21 =	vld [tilespmem:s17+$0x410]  }
0x2f: {  	v22 =	vld [tilespmem:s17+$0x8410]  }
0x30: {  	v23 =	vld [tilespmem:s13+$0x410]  }
0x31: {  	v24 =	vld [tilespmem:s13+$0x8410]  }
0x32: {  	v25 =	vld [tilespmem:s17+$0x420]  }
0x33: {  	v26 =	vld [tilespmem:s17+$0x8420]  }
0x34: {  	v27 =	vld [tilespmem:s13+$0x420]  }
0x35: {  	v28 =	vld [tilespmem:s13+$0x8420]  }
0x36: {  	v29 =	vld [tilespmem:s17+$0x430]  }
0x37: {  	v30 =	vld [tilespmem:s17+$0x8430]  }
0x38: {  	v31 =	vld [tilespmem:s13+$0x430]  }
0x39: {  	v32 =	vld [tilespmem:s13+$0x8430]  }
0x3a: {  	v33 =	vld [tilespmem:s17+$0x440]  }
0x3b: {  	v34 =	vld [tilespmem:s17+$0x8440]  }
0x3c: {  	v35 =	vld [tilespmem:s13+$0x440]  }
0x3d: {  	v36 =	vld [tilespmem:s13+$0x8440]  }
0x3e: {  	v37 =	vld [tilespmem:s17+$0x450]  }
0x3f: {  	v38 =	vld [tilespmem:s17+$0x8450]  }
0x40: {  	v39 =	vld [tilespmem:s13+$0x450]  }
0x41: {  	v43 =	vld [tilespmem:s13+$0x8450];
	v17 =	vmul.f32 v18, v17;
	v18 =	vmul.f32 v22, v21  }
0x42: {  	v45 =	vld [tilespmem:s17+$0x460];
	v19 =	vmul.f32 v20, v19;
	v44 =	vmul.f32 v24, v23  }
0x43: {  	v46 =	vld [tilespmem:s17+$0x8460];
	v17 =	vadd.f32 v18, v17;
	v18 =	vmul.f32 v26, v25  }
0x44: {  	v48 =	vld [tilespmem:s13+$0x460];
	v47 =	vmul.f32 v28, v27;
	v19 =	vadd.f32 v44, v19  }
0x45: {  	v49 =	vld [tilespmem:s13+$0x8460];
	v17 =	vadd.f32 v18, v17;
	v18 =	vmul.f32 v30, v29  }
0x46: {  	v51 =	vld [tilespmem:s17+$0x470];
	v50 =	vmul.f32 v32, v31;
	v19 =	vadd.f32 v47, v19  }
0x47: {  	v52 =	vld [tilespmem:s17+$0x8470];
	v17 =	vadd.f32 v18, v17;
	v18 =	vmul.f32 v34, v33  }
0x48: {  	v54 =	vld [tilespmem:s13+$0x470];
	v53 =	vmul.f32 v36, v35;
	v19 =	vadd.f32 v50, v19  }
0x49: {  	v55 =	vld [tilespmem:s13+$0x8470];
	v17 =	vadd.f32 v18, v17;
	v18 =	vmul.f32 v38, v37  }
0x4a: {  	v56 =	vmul.f32 v43, v39;
	v19 =	vadd.f32 v53, v19  }
0x4b: {  	v17 =	vadd.f32 v18, v17;
	v18 =	vmul.f32 v46, v45  }
0x4c: {  	v57 =	vmul.f32 v49, v48;
	v19 =	vadd.f32 v56, v19  }
0x4d: {  	v17 =	vadd.f32 v18, v17;
	v18 =	vmul.f32 v52, v51  }
0x4e: {  	v58 =	vmul.f32 v55, v54;
	v19 =	vadd.f32 v57, v19  }
0x4f: {  	v17 =	vadd.f32 v18, v17  }
0x50: {  	v18 =	vadd.f32 v58, v19  }
0x51: {  	s13 =	rddreg [dreg:$0x7];
	[tilespmem:$0x10400] =	vst v17  }
0x52: {  	s13 =	sor.u32 s13, s12;
	[tilespmem:$0x10410] =	vst v18  }
0x53: {  	s17 =	rddreg [dreg:$0x8];
	v17 =	vld [tilespmem:s13+$0x400]  }
0x54: {  	s17 =	sor.u32 s17, s12;
	v18 =	vld [tilespmem:s13+$0x8400]  }
0x55: {  	v19 =	vld [tilespmem:s17+$0x400]  }
0x56: {  	v59 =	vld [tilespmem:s17+$0x8400]  }
0x57: {  	v60 =	vld [tilespmem:s13+$0x410]  }
0x58: {  	v61 =	vld [tilespmem:s13+$0x8410]  }
0x59: {  	v62 =	vld [tilespmem:s17+$0x410]  }
0x5a: {  	v63 =	vld [tilespmem:s17+$0x8410]  }
0x5b: {  	v42 =	vld [tilespmem:s13+$0x420]  }
0x5c: {  	v43 =	vld [tilespmem:s13+$0x8420]  }
0x5d: {  	v44 =	vld [tilespmem:s17+$0x420]  }
0x5e: {  	v45 =	vld [tilespmem:s17+$0x8420]  }
0x5f: {  	v46 =	vld [tilespmem:s13+$0x430]  }
0x60: {  	v47 =	vld [tilespmem:s13+$0x8430]  }
0x61: {  	v48 =	vld [tilespmem:s17+$0x430]  }
0x62: {  	v49 =	vld [tilespmem:s17+$0x8430]  }
0x63: {  	v50 =	vld [tilespmem:s13+$0x440]  }
0x64: {  	v51 =	vld [tilespmem:s13+$0x8440]  }
0x65: {  	v52 =	vld [tilespmem:s17+$0x440]  }
0x66: {  	v53 =	vld [tilespmem:s17+$0x8440]  }
0x67: {  	v54 =	vld [tilespmem:s13+$0x450]  }
0x68: {  	v55 =	vld [tilespmem:s13+$0x8450]  }
0x69: {  	v56 =	vld [tilespmem:s17+$0x450]  }
0x6a: {  	v57 =	vld [tilespmem:s17+$0x8450];
	v17 =	vmul.f32 v18, v17;
	v18 =	vmul.f32 v61, v60  }
0x6b: {  	v32 =	vld [tilespmem:s13+$0x470];
	v19 =	vmul.f32 v59, v19;
	v58 =	vmul.f32 v63, v62  }
0x6c: {  	v34 =	vld [tilespmem:s13+$0x8470];
	v17 =	vadd.f32 v18, v17;
	v18 =	vmul.f32 v43, v42  }
0x6d: {  	v59 =	vld [tilespmem:s13+$0x460];
	v61 =	vmul.f32 v45, v44;
	v19 =	vadd.f32 v58, v19  }
0x6e: {  	v60 =	vld [tilespmem:s13+$0x8460];
	v17 =	vadd.f32 v18, v17;
	v18 =	vmul.f32 v47, v46  }
0x6f: {  	v62 =	vld [tilespmem:s17+$0x460];
	v31 =	vmul.f32 v49, v48;
	v19 =	vadd.f32 v61, v19  }
0x70: {  	v63 =	vld [tilespmem:s17+$0x8460];
	v17 =	vadd.f32 v18, v17;
	v18 =	vmul.f32 v51, v50  }
0x71: {  	v40 =	vld [tilespmem:s17+$0x470];
	v36 =	vmul.f32 v53, v52;
	v19 =	vadd.f32 v31, v19  }
0x72: {  	v41 =	vld [tilespmem:s17+$0x8470];
	v17 =	vadd.f32 v18, v17;
	v18 =	vmul.f32 v55, v54  }
0x73: {  	v42 =	vmul.f32 v57, v56;
	v19 =	vadd.f32 v36, v19  }
0x74: {  	v17 =	vadd.f32 v18, v17;
	v18 =	vmul.f32 v60, v59  }
0x75: {  	v43 =	vmul.f32 v63, v62;
	v19 =	vadd.f32 v42, v19  }
0x76: {  	v17 =	vadd.f32 v18, v17;
	v18 =	vmul.f32 v34, v32  }
0x77: {  	v44 =	vmul.f32 v41, v40;
	v19 =	vadd.f32 v43, v19  }
0x78: {  	v17 =	vadd.f32 v18, v17  }
0x79: {  	v18 =	vadd.f32 v44, v19  }
0x7a: {  	s17 =	rddreg [dreg:$0x9];
	[tilespmem:$0x10420] =	vst v17  }
0x7b: {  	s13 =	sor.u32 s17, s12;
	[tilespmem:$0x10430] =	vst v18  }
0x7c: {  	v17 =	vld [tilespmem:s13+$0x400]  }
0x7d: {  	s17 =	sor.u32 s21, s12;
	v18 =	vld [tilespmem:s13+$0x8400]  }
0x7e: {  	v19 =	vld [tilespmem:s17+$0x400]  }
0x7f: {  	v45 =	vld [tilespmem:s17+$0x8400]  }
0x80: {  	v46 =	vld [tilespmem:s13+$0x410]  }
0x81: {  	v47 =	vld [tilespmem:s13+$0x8410]  }
0x82: {  	v48 =	vld [tilespmem:s17+$0x410]  }
0x83: {  	v49 =	vld [tilespmem:s17+$0x8410]  }
0x84: {  	v50 =	vld [tilespmem:s13+$0x420]  }
0x85: {  	v51 =	vld [tilespmem:s13+$0x8420]  }
0x86: {  	v52 =	vld [tilespmem:s17+$0x420]  }
0x87: {  	v53 =	vld [tilespmem:s17+$0x8420]  }
0x88: {  	v54 =	vld [tilespmem:s13+$0x430]  }
0x89: {  	v55 =	vld [tilespmem:s13+$0x8430]  }
0x8a: {  	v56 =	vld [tilespmem:s17+$0x430]  }
0x8b: {  	v57 =	vld [tilespmem:s17+$0x8430]  }
0x8c: {  	v58 =	vld [tilespmem:s13+$0x440]  }
0x8d: {  	v59 =	vld [tilespmem:s13+$0x8440]  }
0x8e: {  	v60 =	vld [tilespmem:s17+$0x440]  }
0x8f: {  	v61 =	vld [tilespmem:s17+$0x8440]  }
0x90: {  	v62 =	vld [tilespmem:s13+$0x450]  }
0x91: {  	v63 =	vld [tilespmem:s13+$0x8450]  }
0x92: {  	v42 =	vld [tilespmem:s17+$0x450]  }
0x93: {  	v43 =	vld [tilespmem:s17+$0x8450];
	v17 =	vmul.f32 v18, v17;
	v18 =	vmul.f32 v47, v46  }
0x94: {  	v19 =	vmul.f32 v45, v19;
	v44 =	vmul.f32 v49, v48;
	v45 =	vld [tilespmem:s13+$0x460]  }
0x95: {  	v46 =	vld [tilespmem:s13+$0x8460];
	v17 =	vadd.f32 v18, v17;
	v18 =	vmul.f32 v51, v50  }
0x96: {  	v47 =	vmul.f32 v53, v52;
	v48 =	vld [tilespmem:s17+$0x460];
	v19 =	vadd.f32 v44, v19  }
0x97: {  	v49 =	vld [tilespmem:s17+$0x8460];
	v17 =	vadd.f32 v18, v17;
	v18 =	vmul.f32 v55, v54  }
0x98: {  	v52 =	vld [tilespmem:s13+$0x8470];
	v50 =	vmul.f32 v57, v56;
	v19 =	vadd.f32 v47, v19  }
0x99: {  	v51 =	vld [tilespmem:s13+$0x470];
	v17 =	vadd.f32 v18, v17;
	v18 =	vmul.f32 v59, v58  }
0x9a: {  	v53 =	vmul.f32 v61, v60;
	v54 =	vld [tilespmem:s17+$0x470];
	v19 =	vadd.f32 v50, v19  }
0x9b: {  	v55 =	vld [tilespmem:s17+$0x8470];
	v17 =	vadd.f32 v18, v17;
	v18 =	vmul.f32 v63, v62  }
0x9c: {  	v56 =	vmul.f32 v43, v42;
	v19 =	vadd.f32 v53, v19  }
0x9d: {  	v17 =	vadd.f32 v18, v17;
	v18 =	vmul.f32 v46, v45  }
0x9e: {  	v57 =	vmul.f32 v49, v48;
	v19 =	vadd.f32 v56, v19  }
0x9f: {  	v17 =	vadd.f32 v18, v17;
	v18 =	vmul.f32 v52, v51  }
0xa0: {  	v58 =	vmul.f32 v55, v54;
	v19 =	vadd.f32 v57, v19  }
0xa1: {  	v17 =	vadd.f32 v18, v17  }
0xa2: {  	v18 =	vadd.f32 v58, v19  }
0xa3: {  	[tilespmem:$0x10440] =	vst v17  }
0xa4: {  	s13 =	sor.u32 s22, s12;
	[tilespmem:$0x10450] =	vst v18  }
0xa5: {  	v17 =	vld [tilespmem:s13+$0x400]  }
0xa6: {  	s17 =	sor.u32 s23, s12;
	v18 =	vld [tilespmem:s13+$0x8400]  }
0xa7: {  	v19 =	vld [tilespmem:s17+$0x400]  }
0xa8: {  	v59 =	vld [tilespmem:s17+$0x8400]  }
0xa9: {  	v60 =	vld [tilespmem:s13+$0x410]  }
0xaa: {  	v61 =	vld [tilespmem:s13+$0x8410]  }
0xab: {  	v62 =	vld [tilespmem:s17+$0x410]  }
0xac: {  	v63 =	vld [tilespmem:s17+$0x8410]  }
0xad: {  	v42 =	vld [tilespmem:s13+$0x420]  }
0xae: {  	v43 =	vld [tilespmem:s13+$0x8420]  }
0xaf: {  	v44 =	vld [tilespmem:s17+$0x420]  }
0xb0: {  	v45 =	vld [tilespmem:s17+$0x8420]  }
0xb1: {  	v46 =	vld [tilespmem:s13+$0x430]  }
0xb2: {  	v47 =	vld [tilespmem:s13+$0x8430]  }
0xb3: {  	v48 =	vld [tilespmem:s17+$0x430]  }
0xb4: {  	v49 =	vld [tilespmem:s17+$0x8430]  }
0xb5: {  	v50 =	vld [tilespmem:s13+$0x440]  }
0xb6: {  	v51 =	vld [tilespmem:s13+$0x8440]  }
0xb7: {  	v52 =	vld [tilespmem:s17+$0x440]  }
0xb8: {  	v53 =	vld [tilespmem:s17+$0x8440]  }
0xb9: {  	v54 =	vld [tilespmem:s13+$0x450]  }
0xba: {  	v55 =	vld [tilespmem:s13+$0x8450]  }
0xbb: {  	v56 =	vld [tilespmem:s17+$0x450]  }
0xbc: {  	v57 =	vld [tilespmem:s17+$0x8450];
	v17 =	vmul.f32 v18, v17;
	v18 =	vmul.f32 v61, v60  }
0xbd: {  	v32 =	vld [tilespmem:s13+$0x470];
	v19 =	vmul.f32 v59, v19;
	v58 =	vmul.f32 v63, v62  }
0xbe: {  	v34 =	vld [tilespmem:s13+$0x8470];
	v17 =	vadd.f32 v18, v17;
	v18 =	vmul.f32 v43, v42  }
0xbf: {  	v59 =	vld [tilespmem:s13+$0x460];
	v61 =	vmul.f32 v45, v44;
	v19 =	vadd.f32 v58, v19  }
0xc0: {  	v60 =	vld [tilespmem:s13+$0x8460];
	v17 =	vadd.f32 v18, v17;
	v18 =	vmul.f32 v47, v46  }
0xc1: {  	v62 =	vld [tilespmem:s17+$0x460];
	v31 =	vmul.f32 v49, v48;
	v19 =	vadd.f32 v61, v19  }
0xc2: {  	v63 =	vld [tilespmem:s17+$0x8460];
	v17 =	vadd.f32 v18, v17;
	v18 =	vmul.f32 v51, v50  }
0xc3: {  	v40 =	vld [tilespmem:s17+$0x470];
	v36 =	vmul.f32 v53, v52;
	v19 =	vadd.f32 v31, v19  }
0xc4: {  	v41 =	vld [tilespmem:s17+$0x8470];
	v17 =	vadd.f32 v18, v17;
	v18 =	vmul.f32 v55, v54  }
0xc5: {  	v42 =	vmul.f32 v57, v56;
	v19 =	vadd.f32 v36, v19  }
0xc6: {  	v17 =	vadd.f32 v18, v17;
	v18 =	vmul.f32 v60, v59  }
0xc7: {  	v43 =	vmul.f32 v63, v62;
	v19 =	vadd.f32 v42, v19  }
0xc8: {  	v17 =	vadd.f32 v18, v17;
	v18 =	vmul.f32 v34, v32  }
0xc9: {  	v44 =	vmul.f32 v41, v40;
	v19 =	vadd.f32 v43, v19  }
0xca: {  	v17 =	vadd.f32 v18, v17  }
0xcb: {  	v18 =	vadd.f32 v44, v19  }
0xcc: {  	[tilespmem:$0x10460] =	vst v17  }
0xcd: {  	s13 =	sor.u32 s24, s12;
	[tilespmem:$0x10470] =	vst v18  }
0xce: {  	v17 =	vld [tilespmem:s13+$0x400]  }
0xcf: {  	s17 =	sor.u32 s25, s12;
	v18 =	vld [tilespmem:s13+$0x8400]  }
0xd0: {  	v19 =	vld [tilespmem:s17+$0x400]  }
0xd1: {  	v45 =	vld [tilespmem:s17+$0x8400]  }
0xd2: {  	v46 =	vld [tilespmem:s13+$0x410]  }
0xd3: {  	v47 =	vld [tilespmem:s13+$0x8410]  }
0xd4: {  	v48 =	vld [tilespmem:s17+$0x410]  }
0xd5: {  	v49 =	vld [tilespmem:s17+$0x8410]  }
0xd6: {  	v50 =	vld [tilespmem:s13+$0x420]  }
0xd7: {  	v51 =	vld [tilespmem:s13+$0x8420]  }
0xd8: {  	v52 =	vld [tilespmem:s17+$0x420]  }
0xd9: {  	v53 =	vld [tilespmem:s17+$0x8420]  }
0xda: {  	v54 =	vld [tilespmem:s13+$0x430]  }
0xdb: {  	v55 =	vld [tilespmem:s13+$0x8430]  }
0xdc: {  	v56 =	vld [tilespmem:s17+$0x430]  }
0xdd: {  	v57 =	vld [tilespmem:s17+$0x8430]  }
0xde: {  	v58 =	vld [tilespmem:s13+$0x440]  }
0xdf: {  	v59 =	vld [tilespmem:s13+$0x8440]  }
0xe0: {  	v60 =	vld [tilespmem:s17+$0x440]  }
0xe1: {  	v61 =	vld [tilespmem:s17+$0x8440]  }
0xe2: {  	v62 =	vld [tilespmem:s13+$0x450]  }
0xe3: {  	v63 =	vld [tilespmem:s13+$0x8450]  }
0xe4: {  	v42 =	vld [tilespmem:s17+$0x450]  }
0xe5: {  	v43 =	vld [tilespmem:s17+$0x8450];
	v17 =	vmul.f32 v18, v17;
	v18 =	vmul.f32 v47, v46  }
0xe6: {  	v19 =	vmul.f32 v45, v19;
	v44 =	vmul.f32 v49, v48;
	v45 =	vld [tilespmem:s13+$0x460]  }
0xe7: {  	v46 =	vld [tilespmem:s13+$0x8460];
	v17 =	vadd.f32 v18, v17;
	v18 =	vmul.f32 v51, v50  }
0xe8: {  	v47 =	vmul.f32 v53, v52;
	v48 =	vld [tilespmem:s17+$0x460];
	v19 =	vadd.f32 v44, v19  }
0xe9: {  	v49 =	vld [tilespmem:s17+$0x8460];
	v17 =	vadd.f32 v18, v17;
	v18 =	vmul.f32 v55, v54  }
0xea: {  	v52 =	vld [tilespmem:s13+$0x8470];
	v50 =	vmul.f32 v57, v56;
	v19 =	vadd.f32 v47, v19  }
0xeb: {  	v51 =	vld [tilespmem:s13+$0x470];
	v17 =	vadd.f32 v18, v17;
	v18 =	vmul.f32 v59, v58  }
0xec: {  	v53 =	vmul.f32 v61, v60;
	v54 =	vld [tilespmem:s17+$0x470];
	v19 =	vadd.f32 v50, v19  }
0xed: {  	v55 =	vld [tilespmem:s17+$0x8470];
	v17 =	vadd.f32 v18, v17;
	v18 =	vmul.f32 v63, v62  }
0xee: {  	v56 =	vmul.f32 v43, v42;
	v19 =	vadd.f32 v53, v19  }
0xef: {  	v17 =	vadd.f32 v18, v17;
	v18 =	vmul.f32 v46, v45  }
0xf0: {  	v57 =	vmul.f32 v49, v48;
	v19 =	vadd.f32 v56, v19  }
0xf1: {  	v17 =	vadd.f32 v18, v17;
	v18 =	vmul.f32 v52, v51  }
0xf2: {  	v58 =	vmul.f32 v55, v54;
	v19 =	vadd.f32 v57, v19  }
0xf3: {  	v17 =	vadd.f32 v18, v17  }
0xf4: {  	v18 =	vadd.f32 v58, v19  }
0xf5: {  	[tilespmem:$0x10480] =	vst v17  }
0xf6: {  	s13 =	sor.u32 s26, s12;
	[tilespmem:$0x10490] =	vst v18  }
0xf7: {  	v17 =	vld [tilespmem:s13+$0x400]  }
0xf8: {  	s17 =	sor.u32 s28, s12;
	v18 =	vld [tilespmem:s13+$0x8400]  }
0xf9: {  	v19 =	vld [tilespmem:s17+$0x400]  }
0xfa: {  	v59 =	vld [tilespmem:s17+$0x8400]  }
0xfb: {  	v60 =	vld [tilespmem:s13+$0x410]  }
0xfc: {  	v61 =	vld [tilespmem:s13+$0x8410]  }
0xfd: {  	v62 =	vld [tilespmem:s17+$0x410]  }
0xfe: {  	v63 =	vld [tilespmem:s17+$0x8410]  }
0xff: {  	v42 =	vld [tilespmem:s13+$0x420]  }
0x100: {  	v43 =	vld [tilespmem:s13+$0x8420]  }
0x101: {  	v44 =	vld [tilespmem:s17+$0x420]  }
0x102: {  	v45 =	vld [tilespmem:s17+$0x8420]  }
0x103: {  	v46 =	vld [tilespmem:s13+$0x430]  }
0x104: {  	v47 =	vld [tilespmem:s13+$0x8430]  }
0x105: {  	v48 =	vld [tilespmem:s17+$0x430]  }
0x106: {  	v49 =	vld [tilespmem:s17+$0x8430]  }
0x107: {  	v50 =	vld [tilespmem:s13+$0x440]  }
0x108: {  	v51 =	vld [tilespmem:s13+$0x8440]  }
0x109: {  	v52 =	vld [tilespmem:s17+$0x440]  }
0x10a: {  	v53 =	vld [tilespmem:s17+$0x8440]  }
0x10b: {  	v54 =	vld [tilespmem:s13+$0x450]  }
0x10c: {  	v55 =	vld [tilespmem:s13+$0x8450]  }
0x10d: {  	v56 =	vld [tilespmem:s17+$0x450]  }
0x10e: {  	v57 =	vld [tilespmem:s17+$0x8450];
	v17 =	vmul.f32 v18, v17;
	v18 =	vmul.f32 v61, v60  }
0x10f: {  	v32 =	vld [tilespmem:s13+$0x470];
	v19 =	vmul.f32 v59, v19;
	v58 =	vmul.f32 v63, v62  }
0x110: {  	v34 =	vld [tilespmem:s13+$0x8470];
	v17 =	vadd.f32 v18, v17;
	v18 =	vmul.f32 v43, v42  }
0x111: {  	v59 =	vld [tilespmem:s13+$0x460];
	v61 =	vmul.f32 v45, v44;
	v19 =	vadd.f32 v58, v19  }
0x112: {  	v60 =	vld [tilespmem:s13+$0x8460];
	v17 =	vadd.f32 v18, v17;
	v18 =	vmul.f32 v47, v46  }
0x113: {  	v62 =	vld [tilespmem:s17+$0x460];
	v31 =	vmul.f32 v49, v48;
	v19 =	vadd.f32 v61, v19  }
0x114: {  	v63 =	vld [tilespmem:s17+$0x8460];
	v17 =	vadd.f32 v18, v17;
	v18 =	vmul.f32 v51, v50  }
0x115: {  	v40 =	vld [tilespmem:s17+$0x470];
	v36 =	vmul.f32 v53, v52;
	v19 =	vadd.f32 v31, v19  }
0x116: {  	v41 =	vld [tilespmem:s17+$0x8470];
	v17 =	vadd.f32 v18, v17;
	v18 =	vmul.f32 v55, v54  }
0x117: {  	v42 =	vmul.f32 v57, v56;
	v19 =	vadd.f32 v36, v19  }
0x118: {  	v17 =	vadd.f32 v18, v17;
	v18 =	vmul.f32 v60, v59  }
0x119: {  	v43 =	vmul.f32 v63, v62;
	v19 =	vadd.f32 v42, v19  }
0x11a: {  	v17 =	vadd.f32 v18, v17;
	v18 =	vmul.f32 v34, v32  }
0x11b: {  	v44 =	vmul.f32 v41, v40;
	v19 =	vadd.f32 v43, v19  }
0x11c: {  	v17 =	vadd.f32 v18, v17  }
0x11d: {  	v18 =	vadd.f32 v44, v19  }
0x11e: {  	[tilespmem:$0x104A0] =	vst v17  }
0x11f: {  	s13 =	sor.u32 s29, s12;
	[tilespmem:$0x104B0] =	vst v18  }
0x120: {  	v17 =	vld [tilespmem:s13+$0x400]  }
0x121: {  	s17 =	sor.u32 s30, s12;
	v18 =	vld [tilespmem:s13+$0x8400]  }
0x122: {  	v19 =	vld [tilespmem:s17+$0x400]  }
0x123: {  	v45 =	vld [tilespmem:s17+$0x8400]  }
0x124: {  	v46 =	vld [tilespmem:s13+$0x410]  }
0x125: {  	v47 =	vld [tilespmem:s13+$0x8410]  }
0x126: {  	v48 =	vld [tilespmem:s17+$0x410]  }
0x127: {  	v49 =	vld [tilespmem:s17+$0x8410]  }
0x128: {  	v50 =	vld [tilespmem:s13+$0x420]  }
0x129: {  	v51 =	vld [tilespmem:s13+$0x8420]  }
0x12a: {  	v52 =	vld [tilespmem:s17+$0x420]  }
0x12b: {  	v53 =	vld [tilespmem:s17+$0x8420]  }
0x12c: {  	v54 =	vld [tilespmem:s13+$0x430]  }
0x12d: {  	v55 =	vld [tilespmem:s13+$0x8430]  }
0x12e: {  	v56 =	vld [tilespmem:s17+$0x430]  }
0x12f: {  	v57 =	vld [tilespmem:s17+$0x8430]  }
0x130: {  	v58 =	vld [tilespmem:s13+$0x440]  }
0x131: {  	v59 =	vld [tilespmem:s13+$0x8440]  }
0x132: {  	v60 =	vld [tilespmem:s17+$0x440]  }
0x133: {  	v61 =	vld [tilespmem:s17+$0x8440]  }
0x134: {  	v62 =	vld [tilespmem:s13+$0x450]  }
0x135: {  	v63 =	vld [tilespmem:s13+$0x8450]  }
0x136: {  	v42 =	vld [tilespmem:s17+$0x450]  }
0x137: {  	v43 =	vld [tilespmem:s17+$0x8450];
	v17 =	vmul.f32 v18, v17;
	v18 =	vmul.f32 v47, v46  }
0x138: {  	v19 =	vmul.f32 v45, v19;
	v44 =	vmul.f32 v49, v48;
	v45 =	vld [tilespmem:s13+$0x460]  }
0x139: {  	v46 =	vld [tilespmem:s13+$0x8460];
	v17 =	vadd.f32 v18, v17;
	v18 =	vmul.f32 v51, v50  }
0x13a: {  	v47 =	vmul.f32 v53, v52;
	v48 =	vld [tilespmem:s17+$0x460];
	v19 =	vadd.f32 v44, v19  }
0x13b: {  	v49 =	vld [tilespmem:s17+$0x8460];
	v17 =	vadd.f32 v18, v17;
	v18 =	vmul.f32 v55, v54  }
0x13c: {  	v52 =	vld [tilespmem:s13+$0x8470];
	v50 =	vmul.f32 v57, v56;
	v19 =	vadd.f32 v47, v19  }
0x13d: {  	v51 =	vld [tilespmem:s13+$0x470];
	v17 =	vadd.f32 v18, v17;
	v18 =	vmul.f32 v59, v58  }
0x13e: {  	v53 =	vmul.f32 v61, v60;
	v54 =	vld [tilespmem:s17+$0x470];
	v19 =	vadd.f32 v50, v19  }
0x13f: {  	v55 =	vld [tilespmem:s17+$0x8470];
	v17 =	vadd.f32 v18, v17;
	v18 =	vmul.f32 v63, v62  }
0x140: {  	v56 =	vmul.f32 v43, v42;
	v19 =	vadd.f32 v53, v19  }
0x141: {  	v17 =	vadd.f32 v18, v17;
	v18 =	vmul.f32 v46, v45  }
0x142: {  	v57 =	vmul.f32 v49, v48;
	v19 =	vadd.f32 v56, v19  }
0x143: {  	v17 =	vadd.f32 v18, v17;
	v18 =	vmul.f32 v52, v51  }
0x144: {  	v58 =	vmul.f32 v55, v54;
	v19 =	vadd.f32 v57, v19  }
0x145: {  	v17 =	vadd.f32 v18, v17  }
0x146: {  	v18 =	vadd.f32 v58, v19  }
0x147: {  	[tilespmem:$0x104C0] =	vst v17  }
0x148: {  	s17 =	sor.u32 s31, s12;
	[tilespmem:$0x104D0] =	vst v18  }
0x149: {  	v17 =	vld [tilespmem:s17+$0x400]  }
0x14a: {  	s12 =	sor.u32 s0, s12;
	v18 =	vld [tilespmem:s17+$0x8400]  }
0x14b: {  	v19 =	vld [tilespmem:s12+$0x400]  }
0x14c: {  	v59 =	vld [tilespmem:s12+$0x8400]  }
0x14d: {  	v60 =	vld [tilespmem:s17+$0x410]  }
0x14e: {  	v61 =	vld [tilespmem:s17+$0x8410]  }
0x14f: {  	v62 =	vld [tilespmem:s12+$0x410]  }
0x150: {  	v63 =	vld [tilespmem:s12+$0x8410]  }
0x151: {  	v42 =	vld [tilespmem:s17+$0x420]  }
0x152: {  	v43 =	vld [tilespmem:s17+$0x8420]  }
0x153: {  	v44 =	vld [tilespmem:s12+$0x420]  }
0x154: {  	v45 =	vld [tilespmem:s12+$0x8420]  }
0x155: {  	v46 =	vld [tilespmem:s17+$0x430]  }
0x156: {  	v47 =	vld [tilespmem:s17+$0x8430]  }
0x157: {  	v48 =	vld [tilespmem:s12+$0x430]  }
0x158: {  	v49 =	vld [tilespmem:s12+$0x8430]  }
0x159: {  	v50 =	vld [tilespmem:s17+$0x440]  }
0x15a: {  	v51 =	vld [tilespmem:s17+$0x8440]  }
0x15b: {  	v52 =	vld [tilespmem:s12+$0x440]  }
0x15c: {  	v53 =	vld [tilespmem:s12+$0x8440]  }
0x15d: {  	v54 =	vld [tilespmem:s17+$0x450]  }
0x15e: {  	v55 =	vld [tilespmem:s17+$0x8450]  }
0x15f: {  	v56 =	vld [tilespmem:s12+$0x450]  }
0x160: {  	v57 =	vld [tilespmem:s12+$0x8450];
	v17 =	vmul.f32 v18, v17;
	v18 =	vmul.f32 v61, v60  }
0x161: {  	v32 =	vld [tilespmem:s17+$0x470];
	v19 =	vmul.f32 v59, v19;
	v58 =	vmul.f32 v63, v62  }
0x162: {  	v34 =	vld [tilespmem:s17+$0x8470];
	v17 =	vadd.f32 v18, v17;
	v18 =	vmul.f32 v43, v42  }
0x163: {  	v59 =	vld [tilespmem:s17+$0x460];
	v61 =	vmul.f32 v45, v44;
	v19 =	vadd.f32 v58, v19  }
0x164: {  	v60 =	vld [tilespmem:s17+$0x8460];
	v17 =	vadd.f32 v18, v17;
	v18 =	vmul.f32 v47, v46  }
0x165: {  	v62 =	vld [tilespmem:s12+$0x460];
	v31 =	vmul.f32 v49, v48;
	v19 =	vadd.f32 v61, v19  }
0x166: {  	v63 =	vld [tilespmem:s12+$0x8460];
	v17 =	vadd.f32 v18, v17;
	v18 =	vmul.f32 v51, v50  }
0x167: {  	v40 =	vld [tilespmem:s12+$0x470];
	v36 =	vmul.f32 v53, v52;
	v19 =	vadd.f32 v31, v19  }
0x168: {  	v41 =	vld [tilespmem:s12+$0x8470];
	v17 =	vadd.f32 v18, v17;
	v18 =	vmul.f32 v55, v54  }
0x169: {  	v42 =	vmul.f32 v57, v56;
	v19 =	vadd.f32 v36, v19  }
0x16a: {  	v17 =	vadd.f32 v18, v17;
	v18 =	vmul.f32 v60, v59  }
0x16b: {  	v43 =	vmul.f32 v63, v62;
	v19 =	vadd.f32 v42, v19  }
0x16c: {  	v17 =	vadd.f32 v18, v17;
	v18 =	vmul.f32 v34, v32  }
0x16d: {  	v44 =	vmul.f32 v41, v40;
	v19 =	vadd.f32 v43, v19  }
0x16e: {  	v17 =	vadd.f32 v18, v17  }
0x16f: {  	v18 =	vadd.f32 v44, v19  }
0x170: {  	[tilespmem:$0x104E0] =	vst v17  }
0x171: {  	[tilespmem:$0x104F0] =	vst v18  }
0x172: {  	v17 =	vld.idx.msk [tilespmem:v0+s16+$0x0], $0xffff  }
0x173: {  	v18 =	vld.idx.msk [tilespmem:v1+s16+$0x0], $0xffff  }
0x174: {  	v19 =	vld.idx.msk [tilespmem:v2+s16+$0x0], $0xffff  }
0x175: {  	v45 =	vld.idx.msk [tilespmem:v3+s16+$0x0], $0xffff  }
0x176: {  	v46 =	vld.idx.msk [tilespmem:v4+s16+$0x0], $0xffff  }
0x177: {  	v47 =	vld.idx.msk [tilespmem:v5+s16+$0x0], $0xffff  }
0x178: {  	v48 =	vld.idx.msk [tilespmem:v6+s16+$0x0], $0xffff  }
0x179: {  	v49 =	vld.idx.msk [tilespmem:v7+s16+$0x0], $0xffff  }
0x17a: {  	v50 =	vld.idx.msk [tilespmem:v8+s16+$0x0], $0xffff  }
0x17b: {  	v51 =	vld.idx.msk [tilespmem:v9+s16+$0x0], $0xffff  }
0x17c: {  	v52 =	vld.idx.msk [tilespmem:v10+s16+$0x0], $0xffff  }
0x17d: {  	v53 =	vld.idx.msk [tilespmem:v11+s16+$0x0], $0xffff  }
0x17e: {  	v54 =	vld.idx.msk [tilespmem:v12+s16+$0x0], $0xffff  }
0x17f: {  	v55 =	vld.idx.msk [tilespmem:v13+s16+$0x0], $0xffff  }
0x180: {  	v56 =	vld.idx.msk [tilespmem:v14+s16+$0x0], $0xffff  }
0x181: {  	v57 =	vld.idx.msk [tilespmem:v15+s16+$0x0], $0xffff;
	_ =	sdelay $0x1  }
0x182: {  	v17 =	vadd.f32 v18, v17;
	v18 =	vadd.f32 v45, v19  }
0x183: {  	v19 =	vadd.f32 v47, v46;
	v58 =	vadd.f32 v49, v48  }
0x184: {  	v59 =	vadd.f32 v51, v50;
	v60 =	vadd.f32 v53, v52  }
0x185: {  	v61 =	vadd.f32 v55, v54;
	v62 =	vadd.f32 v57, v56  }
0x186: {  	v17 =	vadd.f32 v18, v17;
	v18 =	vadd.f32 v58, v19  }
0x187: {  	v19 =	vadd.f32 v60, v59;
	v63 =	vadd.f32 v62, v61  }
0x188: {  	p0 =	seq.s32 s3, $0x7  }
.Ltmp0:
0x189: {  	v17 =	vadd.f32 v18, v17;
	v18 =	vadd.f32 v63, v19;
	(pc) =	sbr.rel @!p0 .LBB2_4-.Ltmp0, $4  }
0x18a: {  	_ = 	snop  }
0x18b: {  	s17 =	sshll.u32 s3, $0x4;
	v17 =	vadd.f32 v18, v17  }
0x18c: {  	s12 =	sand.u32 $0x3FFFFFF0, s17  }
0x18d: {  	s3 =	sadd.s32 $0x1, s3;
	[tilespmem:v16+s12+$0x0 ss:$0x1] =	vst.idx.msk $0xffff, v17  }
0x18e: {  	p0 =	seq.s32 s19, $0x4  }
.Ltmp1:
0x18f: {  	_ = 	snop;
	(pc) =	sbr.rel @!p0 .LBB2_3-.Ltmp1, $1  }
0x190: {  	_ =	sdelay $0x3  }
0x191: {  	s18 =	sadd.s32 $0x1, s18  }
0x192: {  	p0 =	sne.s32 s18, s8  }
.Ltmp2:
0x193: {  	s0 =	simm.s32 $0x10500;
	(pc) =	sbr.rel @p0 .LBB2_1-.Ltmp2, $4  }
0x194: {  	[hbm4b:s7+s4] =	stream.linear.scatter [tilespmem:s0], [sflag:$0x3], $0x200, $0x38;
	[tilespmem:$0x10700] =	vst v63  }
0x195: {  	_ =	swait.ge [sflag:s9], $0x200  }
0x196: {  	[sflag:s9] =	ssyncset.done $0x0  }
0x197: {  	[sflag:s9] =	ssyncadd.s32 $0xFFFFFE00  }
0x198: {  	_ =	sfence.sel $0x180000  }
0x199: {  	[bflag:$0x0] =	sbarrier.arrive $0xFFFF  }
0x19a: {  	_ =	strace $0x90000047  }
0x19b: {  	s0 =	stileid.u32;
	[bflag:$0x2] =	sbarrier.arrive $0xFFFF  }
0x19c: {  	p0 =	sne.s32 s0, $0x0;
	s0 =	rddreg [dreg:$0x5]  }
0x19d: {  	s0 =	sadd.s32 @!p0 $0x100000, s0  }
0x19e: {  	[sflag:s0] =	ssyncadd.tile.s32 @!p0 $0x1;
	_ =	shalt  }
.Lfunc_end2:
_tile_overlayer_lowered:
.L_overlay_start_2:
0x19f: {  	(tag) =	ssettag $0x2  }
0x1a0: {  	s0 =	rddreg [dreg:$0x0];
	s2 =	stileid.u32  }
0x1a1: {  	s1 =	rddreg [dreg:$0x1];
	p0 =	sne.s32 s2, $0x0  }
0x1a2: {  	s3 =	rddreg [dreg:$0x2];
	[bflag:$0x3] =	sbarrier.arrive $0xFFFF;
	s2 =	simm.s32 @!p0 $0x1C03  }
0x1a3: {  	[timem:s3], [sflag:s2] =	dma.local @!p0 [hbm:s0], s1  }
0x1a4: {  	s0 =	simm.s32 @!p0 $0x3  }
0x1a5: {  	_ =	swait.ge @!p0 [sflag:s0], s1  }
0x1a6: {  	s1 =	ssub.s32 @!p0 $0x0, s1;
	[sflag:s0] =	ssyncset.done @!p0 $0x0  }
0x1a7: {  	[sflag:s0] =	ssyncadd.s32 @!p0 s1  }
0x1a8: {  	[bflag:$0x3] =	sbarrier.arrive $0xFFFF  }
0x1a9: {  	_ =	shalt  }

</sc_bundles>
